<compile_context>
chip_gen: v7x
topology: tpu7x:2x2x1
jax: 0.10.2.dev20260603
libtpu: 0.0.44.dev20260713+nightly
codegen_flags: <defaults>
</compile_context>

<pallas_src>
import functools

import jax
import jax.numpy as jnp
from jax import lax
from jax.experimental import pallas as pl
from jax.experimental.pallas import tpu as pltpu
from jax.experimental.pallas import tpu_sc as plsc

VOCAB = 1000000
EMBED = 32
BATCH = 4096
SEQ = 200

NC = 2
NS = 16
NW = NC * NS
B_PER_W = BATCH // NW
CHUNK = 128
TOTAL = BATCH * SEQ
N_CHUNKS = TOTAL // (NW * CHUNK)
K = 4
N_GROUPS = N_CHUNKS // K
NSUB = 4


def _sc_pooled_sum(idx2d, seg2d, table):
    mesh = plsc.VectorSubcoreMesh(core_axis_name="c", subcore_axis_name="s")

    @functools.partial(
        pl.kernel,
        out_type=jax.ShapeDtypeStruct((BATCH, EMBED), jnp.float32),
        mesh=mesh,
        scratch_types=[
            pltpu.VMEM((N_CHUNKS, CHUNK), jnp.int32),
            pltpu.VMEM((N_CHUNKS, CHUNK), jnp.int32),
            pltpu.VMEM((K * CHUNK, EMBED), jnp.float32),
            pltpu.VMEM((K * CHUNK, EMBED), jnp.float32),
            pltpu.VMEM_SHARED((NSUB * BATCH, EMBED), jnp.float32),
            pltpu.SemaphoreType.DMA,
            pltpu.SemaphoreType.DMA,
        ],
        compiler_params=pltpu.CompilerParams(use_tc_tiling_on_sc=False),
    )
    def sc_kernel(idx_hbm, seg_hbm, table_hbm, out_hbm, idx_v, seg_v,
                  rows_a, rows_b, acc_sh, sem_a, sem_b):
        wid = lax.axis_index("s") * NC + lax.axis_index("c")
        row0 = wid * B_PER_W
        arow0 = NSUB * row0
        c0 = wid * N_CHUNKS

        pltpu.sync_copy(idx_hbm.at[pl.ds(c0, N_CHUNKS)], idx_v)
        pltpu.sync_copy(seg_hbm.at[pl.ds(c0, N_CHUNKS)], seg_v)

        z = jnp.zeros((16,), jnp.float32)

        @pl.loop(0, NSUB * B_PER_W)
        def _(i):
            rows_a[i, pl.ds(0, 16)] = z
            rows_a[i, pl.ds(16, 16)] = z

        pltpu.sync_copy(rows_a.at[pl.ds(0, NSUB * B_PER_W)],
                        acc_sh.at[pl.ds(arow0, NSUB * B_PER_W)])

        def fire(g, rows, sem):
            for u in range(K):
                pltpu.async_copy(table_hbm.at[idx_v.at[g * K + u]],
                                 rows.at[pl.ds(u * CHUNK, CHUNK)], sem)

        def drain(g, rows, sem):
            for u in range(K):
                pltpu.make_async_copy(table_hbm.at[idx_v.at[g * K + u]],
                                      rows.at[pl.ds(u * CHUNK, CHUNK)],
                                      sem).wait()

        def scat(g, rows):
            for u in range(K):
                pltpu.sync_copy(rows.at[pl.ds(u * CHUNK, CHUNK)],
                                acc_sh.at[seg_v.at[g * K + u]], add=True)

        fire(0, rows_a, sem_a)

        @pl.loop(0, N_GROUPS // 2)
        def _(t):
            g = t * 2
            drain(g, rows_a, sem_a)
            fire(g + 1, rows_b, sem_b)
            scat(g, rows_a)
            drain(g + 1, rows_b, sem_b)

            @pl.when(g + 2 < N_GROUPS)
            def _():
                fire(g + 2, rows_a, sem_a)

            scat(g + 1, rows_b)

        pltpu.sync_copy(acc_sh.at[pl.ds(arow0, NSUB * B_PER_W)],
                        rows_a.at[pl.ds(0, NSUB * B_PER_W)])

        @pl.loop(0, B_PER_W)
        def _(i):
            r = NSUB * i
            rows_b[i, pl.ds(0, 16)] = (
                (rows_a[r, pl.ds(0, 16)] + rows_a[r + 1, pl.ds(0, 16)])
                + (rows_a[r + 2, pl.ds(0, 16)] + rows_a[r + 3, pl.ds(0, 16)]))
            rows_b[i, pl.ds(16, 16)] = (
                (rows_a[r, pl.ds(16, 16)] + rows_a[r + 1, pl.ds(16, 16)])
                + (rows_a[r + 2, pl.ds(16, 16)] + rows_a[r + 3, pl.ds(16, 16)]))

        pltpu.sync_copy(rows_b.at[pl.ds(0, B_PER_W)],
                        out_hbm.at[pl.ds(row0, B_PER_W)])

    return sc_kernel(idx2d, seg2d, table)


def _dense_head_body(x_ref, w1_ref, b1_ref, w2_ref, b2_ref, o_ref):
    x = x_ref[...] * jnp.float32(1.0 / SEQ)
    h = jnp.dot(x, w1_ref[...], preferred_element_type=jnp.float32)
    h = jnp.maximum(h + b1_ref[...], 0.0)
    logits = jnp.dot(h, w2_ref[...], preferred_element_type=jnp.float32)
    logits = logits + b2_ref[...]
    m = jnp.max(logits, axis=-1, keepdims=True)
    e = jnp.exp(logits - m)
    o_ref[...] = e / jnp.sum(e, axis=-1, keepdims=True)


def kernel(inputs, table, W1, b1, W2, b2):
    idx2d = inputs.astype(jnp.int32).reshape(TOTAL // CHUNK, CHUNK)
    flat = lax.iota(jnp.int32, TOTAL)
    seg2d = ((flat // SEQ) * NSUB
             + (flat // CHUNK) % NSUB).reshape(TOTAL // CHUNK, CHUNK)

    pooled = _sc_pooled_sum(idx2d, seg2d, table)

    out = pl.pallas_call(
        _dense_head_body,
        out_shape=jax.ShapeDtypeStruct((BATCH, 4), jnp.float32),
    )(pooled, W1, b1.reshape(1, 64), W2, b2.reshape(1, 4))
    return out

# --- scband reference (transcript-rebuilt; emitter-appended) ---
"""Pipeline reference for scband-aver-pooling-text-classifier-model-67989332295763 (READ-ONLY COPY).

The authoritative reference and input builder live on the scoring server;
editing this copy changes nothing except your own understanding.
"""

import jax, jax.numpy as jnp
import numpy as np

VOCAB = 1000000
EMBED = 32
BATCH = 4096
SEQ = 200

def setup_inputs(seed: int = 0) -> dict:
    key = jax.random.key(seed)
    k_idx, k_tab, k_w1, k_b1, k_w2, k_b2 = jax.random.split(key, 6)
    inputs = jax.random.randint(k_idx, (BATCH, SEQ), 0, VOCAB, dtype=jnp.int64 if jax.config.jax_enable_x64 else jnp.int32)
    table = jax.random.normal(k_tab, (VOCAB, EMBED), dtype=jnp.float32) * 0.05
    W1 = jax.random.normal(k_w1, (EMBED, 64), dtype=jnp.float32) * (1.0 / np.sqrt(EMBED))
    b1 = jnp.zeros((64,), dtype=jnp.float32)
    W2 = jax.random.normal(k_w2, (64, 4), dtype=jnp.float32) * (1.0 / np.sqrt(64))
    b2 = jnp.zeros((4,), dtype=jnp.float32)
    return {"inputs": inputs, "table": table, "W1": W1, "b1": b1, "W2": W2, "b2": b2}

def reference(inputs, table, W1, b1, W2, b2):
    # Embedding lookup: gather rows from table
    emb = jnp.take(table, inputs, axis=0)            # [B, S, E]
    # GlobalAveragePooling1D: mean over sequence axis
    pooled = jnp.mean(emb, axis=1)                    # [B, E]
    # Dense 64 relu
    h = jax.nn.relu(pooled @ W1 + b1)                 # [B, 64]
    # Dense 4 softmax
    logits = h @ W2 + b2                              # [B, 4]
    out = jax.nn.softmax(logits, axis=-1)
    return out

if __name__ == "__main__":
    import jax
    _d = setup_inputs()
    print(jax.jit(kernel)(*tuple(_d.values())))

</pallas_src>

<mosaic_0001>
#map = affine_map<(d0, d1) -> (0, 0)>
module attributes {stable_mosaic.version = 14 : i64} {
  func.func @sc_kernel(%arg0: i32, %arg1: i32, %arg2: memref<6400x128xi32, #tpu.memory_space<hbm>>, %arg3: memref<6400x128xi32, #tpu.memory_space<hbm>>, %arg4: memref<1000000x32xf32, #tpu.memory_space<hbm>>, %arg5: memref<4096x32xf32, #tpu.memory_space<hbm>>, %arg6: memref<200x128xi32, #tpu.memory_space<vmem>>, %arg7: memref<200x128xi32, #tpu.memory_space<vmem>>, %arg8: memref<512x32xf32, #tpu.memory_space<vmem>>, %arg9: memref<512x32xf32, #tpu.memory_space<vmem>>, %arg10: memref<16384x32xf32, #tpu.memory_space<vmem_shared>>, %arg11: memref<!tpu.dma_semaphore, #tpu.memory_space<semaphore_mem>>, %arg12: memref<!tpu.dma_semaphore, #tpu.memory_space<semaphore_mem>>) attributes {dimension_semantics = [#tpu.dimension_semantics<core_parallel>, #tpu.dimension_semantics<subcore_parallel>], iteration_bounds = array<i64: 2, 16>, scalar_prefetch = 0 : i64, scratch_operands = 7 : i64, tpu.core_type = #tpu.core_type<sc_vector_subcore>, window_params = [{transform_indices = #map}, {transform_indices = #map}, {transform_indices = #map}, {transform_indices = #map}]} {
    %mul3A = arith.constant 2 : i32
    %mul3A_0 = arith.muli %arg1, %mul3A : i32
    %add3A = arith.addi %mul3A_0, %arg0 : i32
    %mul3A_1 = arith.constant 128 : i32
    %mul3A_2 = arith.muli %add3A, %mul3A_1 : i32
    %mul3A_3 = arith.constant 4 : i32
    %mul3A_4 = arith.muli %mul3A_3, %mul3A_2 : i32
    %mul3A_5 = arith.constant 200 : i32
    %mul3A_6 = arith.muli %add3A, %mul3A_5 : i32
    "tpu.region"() ({
      %run_scoped3A = tpu.sem_alloc : memref<!tpu.dma_semaphore, #tpu.memory_space<semaphore_mem>>
      %dma_start3A_61 = arith.constant 0 : i32
      %dma_start3A_62 = tpu.memref_slice %arg2[%mul3A_6, %dma_start3A_61] : memref<6400x128xi32, #tpu.memory_space<hbm>> -> memref<200x128xi32, #tpu.memory_space<hbm>>
      %dma_start3A_63 = arith.constant 0 : i32
      %dma_start3A_64 = tpu.memref_slice %arg2[%mul3A_6, %dma_start3A_63] : memref<6400x128xi32, #tpu.memory_space<hbm>> -> memref<200x128xi32, #tpu.memory_space<hbm>>
      tpu.enqueue_dma source(%dma_start3A_64 : memref<200x128xi32, #tpu.memory_space<hbm>>) target(%arg6 : memref<200x128xi32, #tpu.memory_space<vmem>>) target_semaphore(%run_scoped3A : memref<!tpu.dma_semaphore, #tpu.memory_space<semaphore_mem>>)
      %dma_wait3A = arith.constant 0 : i32
      %dma_wait3A_65 = tpu.memref_slice %arg2[%mul3A_6, %dma_wait3A] : memref<6400x128xi32, #tpu.memory_space<hbm>> -> memref<200x128xi32, #tpu.memory_space<hbm>>
      %dma_wait3A_66 = arith.constant 0 : i32
      %dma_wait3A_67 = tpu.memref_slice %arg2[%mul3A_6, %dma_wait3A_66] : memref<6400x128xi32, #tpu.memory_space<hbm>> -> memref<200x128xi32, #tpu.memory_space<hbm>>
      tpu.wait_dma2 semaphore(%run_scoped3A : memref<!tpu.dma_semaphore, #tpu.memory_space<semaphore_mem>>) src(%dma_wait3A_67 : memref<200x128xi32, #tpu.memory_space<hbm>>) dst(%arg6 : memref<200x128xi32, #tpu.memory_space<vmem>>)
      tpu.yield
    }) : () -> ()
    "tpu.region"() ({
      %run_scoped3A = tpu.sem_alloc : memref<!tpu.dma_semaphore, #tpu.memory_space<semaphore_mem>>
      %dma_start3A_61 = arith.constant 0 : i32
      %dma_start3A_62 = tpu.memref_slice %arg3[%mul3A_6, %dma_start3A_61] : memref<6400x128xi32, #tpu.memory_space<hbm>> -> memref<200x128xi32, #tpu.memory_space<hbm>>
      %dma_start3A_63 = arith.constant 0 : i32
      %dma_start3A_64 = tpu.memref_slice %arg3[%mul3A_6, %dma_start3A_63] : memref<6400x128xi32, #tpu.memory_space<hbm>> -> memref<200x128xi32, #tpu.memory_space<hbm>>
      tpu.enqueue_dma source(%dma_start3A_64 : memref<200x128xi32, #tpu.memory_space<hbm>>) target(%arg7 : memref<200x128xi32, #tpu.memory_space<vmem>>) target_semaphore(%run_scoped3A : memref<!tpu.dma_semaphore, #tpu.memory_space<semaphore_mem>>)
      %dma_wait3A = arith.constant 0 : i32
      %dma_wait3A_65 = tpu.memref_slice %arg3[%mul3A_6, %dma_wait3A] : memref<6400x128xi32, #tpu.memory_space<hbm>> -> memref<200x128xi32, #tpu.memory_space<hbm>>
      %dma_wait3A_66 = arith.constant 0 : i32
      %dma_wait3A_67 = tpu.memref_slice %arg3[%mul3A_6, %dma_wait3A_66] : memref<6400x128xi32, #tpu.memory_space<hbm>> -> memref<200x128xi32, #tpu.memory_space<hbm>>
      tpu.wait_dma2 semaphore(%run_scoped3A : memref<!tpu.dma_semaphore, #tpu.memory_space<semaphore_mem>>) src(%dma_wait3A_67 : memref<200x128xi32, #tpu.memory_space<hbm>>) dst(%arg7 : memref<200x128xi32, #tpu.memory_space<vmem>>)
      tpu.yield
    }) : () -> ()
    %broadcast_in_dim3A = arith.constant 0.000000e+00 : f32
    %broadcast_in_dim3A_7 = vector.broadcast %broadcast_in_dim3A : f32 to vector<16xf32>
    %scan3A = arith.constant 0 : i32
    %scan3A_8 = arith.constant 512 : i32
    %scan3A_9 = arith.addi %scan3A, %scan3A_8 : i32
    %scan3A_10 = arith.constant 1 : i32
    scf.for %scan3A_61 = %scan3A to %scan3A_9 step %scan3A_10  : i32 {
      %mul3A_62 = arith.constant 1 : i32
      %mul3A_63 = arith.muli %scan3A_61, %mul3A_62 : i32
      %add3A_64 = arith.constant 0 : i32
      %add3A_65 = arith.addi %add3A_64, %mul3A_63 : i32
      %swap3A = arith.index_cast %add3A_65 : i32 to index
      %swap3A_66 = arith.constant 0 : index
      %swap3A_67 = tpu.vector_load %arg8[%swap3A, %swap3A_66] {strides = array<i32>} : memref<512x32xf32, #tpu.memory_space<vmem>>, vector<1x16xf32>,
      %swap3A_68 = vector.shape_cast %swap3A_67 : vector<1x16xf32> to vector<16xf32>
      %swap3A_69 = vector.shape_cast %broadcast_in_dim3A_7 : vector<16xf32> to vector<1x16xf32>
      tpu.vector_store %arg8[%swap3A, %swap3A_66], %swap3A_69 {strides = array<i32>} : memref<512x32xf32, #tpu.memory_space<vmem>>, vector<1x16xf32>,
      %swap3A_70 = arith.index_cast %add3A_65 : i32 to index
      %swap3A_71 = arith.constant 16 : index
      %swap3A_72 = tpu.vector_load %arg8[%swap3A_70, %swap3A_71] {strides = array<i32>} : memref<512x32xf32, #tpu.memory_space<vmem>>, vector<1x16xf32>,
      %swap3A_73 = vector.shape_cast %swap3A_72 : vector<1x16xf32> to vector<16xf32>
      %swap3A_74 = vector.shape_cast %broadcast_in_dim3A_7 : vector<16xf32> to vector<1x16xf32>
      tpu.vector_store %arg8[%swap3A_70, %swap3A_71], %swap3A_74 {strides = array<i32>} : memref<512x32xf32, #tpu.memory_space<vmem>>, vector<1x16xf32>,
    }
    %scan3A_11 = arith.constant 512 : i32
    "tpu.region"() ({
      %run_scoped3A = tpu.sem_alloc : memref<!tpu.dma_semaphore, #tpu.memory_space<semaphore_mem>>
      %dma_start3A_61 = arith.constant 0 : i32
      %dma_start3A_62 = arith.constant 0 : i32
      %dma_start3A_63 = tpu.memref_slice %arg8[%dma_start3A_61, %dma_start3A_62] : memref<512x32xf32, #tpu.memory_space<vmem>> -> memref<512x32xf32, #tpu.memory_space<vmem>>
      %dma_start3A_64 = arith.constant 0 : i32
      %dma_start3A_65 = tpu.memref_slice %arg10[%mul3A_4, %dma_start3A_64] : memref<16384x32xf32, #tpu.memory_space<vmem_shared>> -> memref<512x32xf32, #tpu.memory_space<vmem_shared>>
      %dma_start3A_66 = arith.constant 0 : i32
      %dma_start3A_67 = tpu.memref_slice %arg10[%mul3A_4, %dma_start3A_66] : memref<16384x32xf32, #tpu.memory_space<vmem_shared>> -> memref<512x32xf32, #tpu.memory_space<vmem_shared>>
      %dma_start3A_68 = arith.constant 0 : i32
      %dma_start3A_69 = arith.constant 0 : i32
      %dma_start3A_70 = tpu.memref_slice %arg8[%dma_start3A_68, %dma_start3A_69] : memref<512x32xf32, #tpu.memory_space<vmem>> -> memref<512x32xf32, #tpu.memory_space<vmem>>
      tpu.enqueue_dma source(%dma_start3A_70 : memref<512x32xf32, #tpu.memory_space<vmem>>) target(%dma_start3A_67 : memref<512x32xf32, #tpu.memory_space<vmem_shared>>) target_semaphore(%run_scoped3A : memref<!tpu.dma_semaphore, #tpu.memory_space<semaphore_mem>>)
      %dma_wait3A = arith.constant 0 : i32
      %dma_wait3A_71 = arith.constant 0 : i32
      %dma_wait3A_72 = tpu.memref_slice %arg8[%dma_wait3A, %dma_wait3A_71] : memref<512x32xf32, #tpu.memory_space<vmem>> -> memref<512x32xf32, #tpu.memory_space<vmem>>
      %dma_wait3A_73 = arith.constant 0 : i32
      %dma_wait3A_74 = tpu.memref_slice %arg10[%mul3A_4, %dma_wait3A_73] : memref<16384x32xf32, #tpu.memory_space<vmem_shared>> -> memref<512x32xf32, #tpu.memory_space<vmem_shared>>
      %dma_wait3A_75 = arith.constant 0 : i32
      %dma_wait3A_76 = tpu.memref_slice %arg10[%mul3A_4, %dma_wait3A_75] : memref<16384x32xf32, #tpu.memory_space<vmem_shared>> -> memref<512x32xf32, #tpu.memory_space<vmem_shared>>
      %dma_wait3A_77 = arith.constant 0 : i32
      %dma_wait3A_78 = arith.constant 0 : i32
      %dma_wait3A_79 = tpu.memref_slice %arg8[%dma_wait3A_77, %dma_wait3A_78] : memref<512x32xf32, #tpu.memory_space<vmem>> -> memref<512x32xf32, #tpu.memory_space<vmem>>
      tpu.wait_dma2 semaphore(%run_scoped3A : memref<!tpu.dma_semaphore, #tpu.memory_space<semaphore_mem>>) src(%dma_wait3A_79 : memref<512x32xf32, #tpu.memory_space<vmem>>) dst(%dma_wait3A_76 : memref<512x32xf32, #tpu.memory_space<vmem_shared>>)
      tpu.yield
    }) : () -> ()
    %dma_start3A = arith.constant 0 : i32
    %dma_start3A_12 = arith.constant 0 : i32
    %dma_start3A_13 = arith.constant 0 : i32
    %dma_start3A_14 = tpu.memref_slice %arg8[%dma_start3A_12, %dma_start3A_13] : memref<512x32xf32, #tpu.memory_space<vmem>> -> memref<128x32xf32, #tpu.memory_space<vmem>>
    %dma_start3A_15 = arith.constant 0 : i32
    %dma_start3A_16 = tpu.memref_slice %arg6[%dma_start3A, %dma_start3A_15] : memref<200x128xi32, #tpu.memory_space<vmem>> -> memref<1x128xi32, #tpu.memory_space<vmem>>
    %dma_start3A_17 = tpu.memref_squeeze %dma_start3A_16 : memref<1x128xi32, #tpu.memory_space<vmem>> -> memref<128xi32, #tpu.memory_space<vmem>>
    %dma_start3A_18 = arith.constant 0 : i32
    %dma_start3A_19 = arith.constant 0 : i32
    %dma_start3A_20 = tpu.memref_slice %arg4[%dma_start3A_18, %dma_start3A_19] : memref<1000000x32xf32, #tpu.memory_space<hbm>> -> memref<1000000x32xf32, #tpu.memory_space<hbm>>
    tpu.enqueue_indirect_dma source(%dma_start3A_20 : memref<1000000x32xf32, #tpu.memory_space<hbm>>) target(%dma_start3A_14 : memref<128x32xf32, #tpu.memory_space<vmem>>) offsets(%dma_start3A_17 : memref<128xi32, #tpu.memory_space<vmem>>) semaphore(%arg11 : memref<!tpu.dma_semaphore, #tpu.memory_space<semaphore_mem>>)
    %dma_start3A_21 = arith.constant 1 : i32
    %dma_start3A_22 = arith.constant 128 : i32
    %dma_start3A_23 = arith.constant 0 : i32
    %dma_start3A_24 = tpu.memref_slice %arg8[%dma_start3A_22, %dma_start3A_23] : memref<512x32xf32, #tpu.memory_space<vmem>> -> memref<128x32xf32, #tpu.memory_space<vmem>>
    %dma_start3A_25 = arith.constant 0 : i32
    %dma_start3A_26 = tpu.memref_slice %arg6[%dma_start3A_21, %dma_start3A_25] : memref<200x128xi32, #tpu.memory_space<vmem>> -> memref<1x128xi32, #tpu.memory_space<vmem>>
    %dma_start3A_27 = tpu.memref_squeeze %dma_start3A_26 : memref<1x128xi32, #tpu.memory_space<vmem>> -> memref<128xi32, #tpu.memory_space<vmem>>
    %dma_start3A_28 = arith.constant 0 : i32
    %dma_start3A_29 = arith.constant 0 : i32
    %dma_start3A_30 = tpu.memref_slice %arg4[%dma_start3A_28, %dma_start3A_29] : memref<1000000x32xf32, #tpu.memory_space<hbm>> -> memref<1000000x32xf32, #tpu.memory_space<hbm>>
    tpu.enqueue_indirect_dma source(%dma_start3A_30 : memref<1000000x32xf32, #tpu.memory_space<hbm>>) target(%dma_start3A_24 : memref<128x32xf32, #tpu.memory_space<vmem>>) offsets(%dma_start3A_27 : memref<128xi32, #tpu.memory_space<vmem>>) semaphore(%arg11 : memref<!tpu.dma_semaphore, #tpu.memory_space<semaphore_mem>>)
    %dma_start3A_31 = arith.constant 2 : i32
    %dma_start3A_32 = arith.constant 256 : i32
    %dma_start3A_33 = arith.constant 0 : i32
    %dma_start3A_34 = tpu.memref_slice %arg8[%dma_start3A_32, %dma_start3A_33] : memref<512x32xf32, #tpu.memory_space<vmem>> -> memref<128x32xf32, #tpu.memory_space<vmem>>
    %dma_start3A_35 = arith.constant 0 : i32
    %dma_start3A_36 = tpu.memref_slice %arg6[%dma_start3A_31, %dma_start3A_35] : memref<200x128xi32, #tpu.memory_space<vmem>> -> memref<1x128xi32, #tpu.memory_space<vmem>>
    %dma_start3A_37 = tpu.memref_squeeze %dma_start3A_36 : memref<1x128xi32, #tpu.memory_space<vmem>> -> memref<128xi32, #tpu.memory_space<vmem>>
    %dma_start3A_38 = arith.constant 0 : i32
    %dma_start3A_39 = arith.constant 0 : i32
    %dma_start3A_40 = tpu.memref_slice %arg4[%dma_start3A_38, %dma_start3A_39] : memref<1000000x32xf32, #tpu.memory_space<hbm>> -> memref<1000000x32xf32, #tpu.memory_space<hbm>>
    tpu.enqueue_indirect_dma source(%dma_start3A_40 : memref<1000000x32xf32, #tpu.memory_space<hbm>>) target(%dma_start3A_34 : memref<128x32xf32, #tpu.memory_space<vmem>>) offsets(%dma_start3A_37 : memref<128xi32, #tpu.memory_space<vmem>>) semaphore(%arg11 : memref<!tpu.dma_semaphore, #tpu.memory_space<semaphore_mem>>)
    %dma_start3A_41 = arith.constant 3 : i32
    %dma_start3A_42 = arith.constant 384 : i32
    %dma_start3A_43 = arith.constant 0 : i32
    %dma_start3A_44 = tpu.memref_slice %arg8[%dma_start3A_42, %dma_start3A_43] : memref<512x32xf32, #tpu.memory_space<vmem>> -> memref<128x32xf32, #tpu.memory_space<vmem>>
    %dma_start3A_45 = arith.constant 0 : i32
    %dma_start3A_46 = tpu.memref_slice %arg6[%dma_start3A_41, %dma_start3A_45] : memref<200x128xi32, #tpu.memory_space<vmem>> -> memref<1x128xi32, #tpu.memory_space<vmem>>
    %dma_start3A_47 = tpu.memref_squeeze %dma_start3A_46 : memref<1x128xi32, #tpu.memory_space<vmem>> -> memref<128xi32, #tpu.memory_space<vmem>>
    %dma_start3A_48 = arith.constant 0 : i32
    %dma_start3A_49 = arith.constant 0 : i32
    %dma_start3A_50 = tpu.memref_slice %arg4[%dma_start3A_48, %dma_start3A_49] : memref<1000000x32xf32, #tpu.memory_space<hbm>> -> memref<1000000x32xf32, #tpu.memory_space<hbm>>
    tpu.enqueue_indirect_dma source(%dma_start3A_50 : memref<1000000x32xf32, #tpu.memory_space<hbm>>) target(%dma_start3A_44 : memref<128x32xf32, #tpu.memory_space<vmem>>) offsets(%dma_start3A_47 : memref<128xi32, #tpu.memory_space<vmem>>) semaphore(%arg11 : memref<!tpu.dma_semaphore, #tpu.memory_space<semaphore_mem>>)
    %scan3A_51 = arith.constant 0 : i32
    %scan3A_52 = arith.constant 25 : i32
    %scan3A_53 = arith.addi %scan3A_51, %scan3A_52 : i32
    %scan3A_54 = arith.constant 1 : i32
    scf.for %scan3A_61 = %scan3A_51 to %scan3A_53 step %scan3A_54  : i32 {
      %mul3A_62 = arith.constant 1 : i32
      %mul3A_63 = arith.muli %scan3A_61, %mul3A_62 : i32
      %add3A_64 = arith.constant 0 : i32
      %add3A_65 = arith.addi %add3A_64, %mul3A_63 : i32
      %mul3A_66 = arith.constant 2 : i32
      %mul3A_67 = arith.muli %add3A_65, %mul3A_66 : i32
      %mul3A_68 = arith.constant 4 : i32
      %mul3A_69 = arith.muli %mul3A_67, %mul3A_68 : i32
      %add3A_70 = arith.constant 0 : i32
      %add3A_71 = arith.addi %mul3A_69, %add3A_70 : i32
      %dma_wait3A = arith.constant 0 : i32
      %dma_wait3A_72 = arith.constant 0 : i32
      %dma_wait3A_73 = tpu.memref_slice %arg8[%dma_wait3A, %dma_wait3A_72] : memref<512x32xf32, #tpu.memory_space<vmem>> -> memref<128x32xf32, #tpu.memory_space<vmem>>
      %dma_wait3A_74 = arith.constant 0 : i32
      %dma_wait3A_75 = tpu.memref_slice %arg6[%add3A_71, %dma_wait3A_74] : memref<200x128xi32, #tpu.memory_space<vmem>> -> memref<1x128xi32, #tpu.memory_space<vmem>>
      %dma_wait3A_76 = tpu.memref_squeeze %dma_wait3A_75 : memref<1x128xi32, #tpu.memory_space<vmem>> -> memref<128xi32, #tpu.memory_space<vmem>>
      %dma_wait3A_77 = arith.constant 0 : i32
      %dma_wait3A_78 = arith.constant 0 : i32
      %dma_wait3A_79 = tpu.memref_slice %arg4[%dma_wait3A_77, %dma_wait3A_78] : memref<1000000x32xf32, #tpu.memory_space<hbm>> -> memref<1000000x32xf32, #tpu.memory_space<hbm>>
      tpu.wait_indirect_dma semaphore(%arg11 : memref<!tpu.dma_semaphore, #tpu.memory_space<semaphore_mem>>) src(%dma_wait3A_79 : memref<1000000x32xf32, #tpu.memory_space<hbm>>) dst(%dma_wait3A_73 : memref<128x32xf32, #tpu.memory_space<vmem>>)
      %mul3A_80 = arith.constant 4 : i32
      %mul3A_81 = arith.muli %mul3A_67, %mul3A_80 : i32
      %add3A_82 = arith.constant 1 : i32
      %add3A_83 = arith.addi %mul3A_81, %add3A_82 : i32
      %dma_wait3A_84 = arith.constant 128 : i32
      %dma_wait3A_85 = arith.constant 0 : i32
      %dma_wait3A_86 = tpu.memref_slice %arg8[%dma_wait3A_84, %dma_wait3A_85] : memref<512x32xf32, #tpu.memory_space<vmem>> -> memref<128x32xf32, #tpu.memory_space<vmem>>
      %dma_wait3A_87 = arith.constant 0 : i32
      %dma_wait3A_88 = tpu.memref_slice %arg6[%add3A_83, %dma_wait3A_87] : memref<200x128xi32, #tpu.memory_space<vmem>> -> memref<1x128xi32, #tpu.memory_space<vmem>>
      %dma_wait3A_89 = tpu.memref_squeeze %dma_wait3A_88 : memref<1x128xi32, #tpu.memory_space<vmem>> -> memref<128xi32, #tpu.memory_space<vmem>>
      %dma_wait3A_90 = arith.constant 0 : i32
      %dma_wait3A_91 = arith.constant 0 : i32
      %dma_wait3A_92 = tpu.memref_slice %arg4[%dma_wait3A_90, %dma_wait3A_91] : memref<1000000x32xf32, #tpu.memory_space<hbm>> -> memref<1000000x32xf32, #tpu.memory_space<hbm>>
      tpu.wait_indirect_dma semaphore(%arg11 : memref<!tpu.dma_semaphore, #tpu.memory_space<semaphore_mem>>) src(%dma_wait3A_92 : memref<1000000x32xf32, #tpu.memory_space<hbm>>) dst(%dma_wait3A_86 : memref<128x32xf32, #tpu.memory_space<vmem>>)
      %mul3A_93 = arith.constant 4 : i32
      %mul3A_94 = arith.muli %mul3A_67, %mul3A_93 : i32
      %add3A_95 = arith.constant 2 : i32
      %add3A_96 = arith.addi %mul3A_94, %add3A_95 : i32
      %dma_wait3A_97 = arith.constant 256 : i32
      %dma_wait3A_98 = arith.constant 0 : i32
      %dma_wait3A_99 = tpu.memref_slice %arg8[%dma_wait3A_97, %dma_wait3A_98] : memref<512x32xf32, #tpu.memory_space<vmem>> -> memref<128x32xf32, #tpu.memory_space<vmem>>
      %dma_wait3A_100 = arith.constant 0 : i32
      %dma_wait3A_101 = tpu.memref_slice %arg6[%add3A_96, %dma_wait3A_100] : memref<200x128xi32, #tpu.memory_space<vmem>> -> memref<1x128xi32, #tpu.memory_space<vmem>>
      %dma_wait3A_102 = tpu.memref_squeeze %dma_wait3A_101 : memref<1x128xi32, #tpu.memory_space<vmem>> -> memref<128xi32, #tpu.memory_space<vmem>>
      %dma_wait3A_103 = arith.constant 0 : i32
      %dma_wait3A_104 = arith.constant 0 : i32
      %dma_wait3A_105 = tpu.memref_slice %arg4[%dma_wait3A_103, %dma_wait3A_104] : memref<1000000x32xf32, #tpu.memory_space<hbm>> -> memref<1000000x32xf32, #tpu.memory_space<hbm>>
      tpu.wait_indirect_dma semaphore(%arg11 : memref<!tpu.dma_semaphore, #tpu.memory_space<semaphore_mem>>) src(%dma_wait3A_105 : memref<1000000x32xf32, #tpu.memory_space<hbm>>) dst(%dma_wait3A_99 : memref<128x32xf32, #tpu.memory_space<vmem>>)
      %mul3A_106 = arith.constant 4 : i32
      %mul3A_107 = arith.muli %mul3A_67, %mul3A_106 : i32
      %add3A_108 = arith.constant 3 : i32
      %add3A_109 = arith.addi %mul3A_107, %add3A_108 : i32
      %dma_wait3A_110 = arith.constant 384 : i32
      %dma_wait3A_111 = arith.constant 0 : i32
      %dma_wait3A_112 = tpu.memref_slice %arg8[%dma_wait3A_110, %dma_wait3A_111] : memref<512x32xf32, #tpu.memory_space<vmem>> -> memref<128x32xf32, #tpu.memory_space<vmem>>
      %dma_wait3A_113 = arith.constant 0 : i32
      %dma_wait3A_114 = tpu.memref_slice %arg6[%add3A_109, %dma_wait3A_113] : memref<200x128xi32, #tpu.memory_space<vmem>> -> memref<1x128xi32, #tpu.memory_space<vmem>>
      %dma_wait3A_115 = tpu.memref_squeeze %dma_wait3A_114 : memref<1x128xi32, #tpu.memory_space<vmem>> -> memref<128xi32, #tpu.memory_space<vmem>>
      %dma_wait3A_116 = arith.constant 0 : i32
      %dma_wait3A_117 = arith.constant 0 : i32
      %dma_wait3A_118 = tpu.memref_slice %arg4[%dma_wait3A_116, %dma_wait3A_117] : memref<1000000x32xf32, #tpu.memory_space<hbm>> -> memref<1000000x32xf32, #tpu.memory_space<hbm>>
      tpu.wait_indirect_dma semaphore(%arg11 : memref<!tpu.dma_semaphore, #tpu.memory_space<semaphore_mem>>) src(%dma_wait3A_118 : memref<1000000x32xf32, #tpu.memory_space<hbm>>) dst(%dma_wait3A_112 : memref<128x32xf32, #tpu.memory_space<vmem>>)
      %add3A_119 = arith.constant 1 : i32
      %add3A_120 = arith.addi %mul3A_67, %add3A_119 : i32
      %mul3A_121 = arith.constant 4 : i32
      %mul3A_122 = arith.muli %add3A_120, %mul3A_121 : i32
      %add3A_123 = arith.constant 0 : i32
      %add3A_124 = arith.addi %mul3A_122, %add3A_123 : i32
      %dma_start3A_125 = arith.constant 0 : i32
      %dma_start3A_126 = arith.constant 0 : i32
      %dma_start3A_127 = tpu.memref_slice %arg9[%dma_start3A_125, %dma_start3A_126] : memref<512x32xf32, #tpu.memory_space<vmem>> -> memref<128x32xf32, #tpu.memory_space<vmem>>
      %dma_start3A_128 = arith.constant 0 : i32
      %dma_start3A_129 = tpu.memref_slice %arg6[%add3A_124, %dma_start3A_128] : memref<200x128xi32, #tpu.memory_space<vmem>> -> memref<1x128xi32, #tpu.memory_space<vmem>>
      %dma_start3A_130 = tpu.memref_squeeze %dma_start3A_129 : memref<1x128xi32, #tpu.memory_space<vmem>> -> memref<128xi32, #tpu.memory_space<vmem>>
      %dma_start3A_131 = arith.constant 0 : i32
      %dma_start3A_132 = arith.constant 0 : i32
      %dma_start3A_133 = tpu.memref_slice %arg4[%dma_start3A_131, %dma_start3A_132] : memref<1000000x32xf32, #tpu.memory_space<hbm>> -> memref<1000000x32xf32, #tpu.memory_space<hbm>>
      tpu.enqueue_indirect_dma source(%dma_start3A_133 : memref<1000000x32xf32, #tpu.memory_space<hbm>>) target(%dma_start3A_127 : memref<128x32xf32, #tpu.memory_space<vmem>>) offsets(%dma_start3A_130 : memref<128xi32, #tpu.memory_space<vmem>>) semaphore(%arg12 : memref<!tpu.dma_semaphore, #tpu.memory_space<semaphore_mem>>)
      %mul3A_134 = arith.constant 4 : i32
      %mul3A_135 = arith.muli %add3A_120, %mul3A_134 : i32
      %add3A_136 = arith.constant 1 : i32
      %add3A_137 = arith.addi %mul3A_135, %add3A_136 : i32
      %dma_start3A_138 = arith.constant 128 : i32
      %dma_start3A_139 = arith.constant 0 : i32
      %dma_start3A_140 = tpu.memref_slice %arg9[%dma_start3A_138, %dma_start3A_139] : memref<512x32xf32, #tpu.memory_space<vmem>> -> memref<128x32xf32, #tpu.memory_space<vmem>>
      %dma_start3A_141 = arith.constant 0 : i32
      %dma_start3A_142 = tpu.memref_slice %arg6[%add3A_137, %dma_start3A_141] : memref<200x128xi32, #tpu.memory_space<vmem>> -> memref<1x128xi32, #tpu.memory_space<vmem>>
      %dma_start3A_143 = tpu.memref_squeeze %dma_start3A_142 : memref<1x128xi32, #tpu.memory_space<vmem>> -> memref<128xi32, #tpu.memory_space<vmem>>
      %dma_start3A_144 = arith.constant 0 : i32
      %dma_start3A_145 = arith.constant 0 : i32
      %dma_start3A_146 = tpu.memref_slice %arg4[%dma_start3A_144, %dma_start3A_145] : memref<1000000x32xf32, #tpu.memory_space<hbm>> -> memref<1000000x32xf32, #tpu.memory_space<hbm>>
      tpu.enqueue_indirect_dma source(%dma_start3A_146 : memref<1000000x32xf32, #tpu.memory_space<hbm>>) target(%dma_start3A_140 : memref<128x32xf32, #tpu.memory_space<vmem>>) offsets(%dma_start3A_143 : memref<128xi32, #tpu.memory_space<vmem>>) semaphore(%arg12 : memref<!tpu.dma_semaphore, #tpu.memory_space<semaphore_mem>>)
      %mul3A_147 = arith.constant 4 : i32
      %mul3A_148 = arith.muli %add3A_120, %mul3A_147 : i32
      %add3A_149 = arith.constant 2 : i32
      %add3A_150 = arith.addi %mul3A_148, %add3A_149 : i32
      %dma_start3A_151 = arith.constant 256 : i32
      %dma_start3A_152 = arith.constant 0 : i32
      %dma_start3A_153 = tpu.memref_slice %arg9[%dma_start3A_151, %dma_start3A_152] : memref<512x32xf32, #tpu.memory_space<vmem>> -> memref<128x32xf32, #tpu.memory_space<vmem>>
      %dma_start3A_154 = arith.constant 0 : i32
      %dma_start3A_155 = tpu.memref_slice %arg6[%add3A_150, %dma_start3A_154] : memref<200x128xi32, #tpu.memory_space<vmem>> -> memref<1x128xi32, #tpu.memory_space<vmem>>
      %dma_start3A_156 = tpu.memref_squeeze %dma_start3A_155 : memref<1x128xi32, #tpu.memory_space<vmem>> -> memref<128xi32, #tpu.memory_space<vmem>>
      %dma_start3A_157 = arith.constant 0 : i32
      %dma_start3A_158 = arith.constant 0 : i32
      %dma_start3A_159 = tpu.memref_slice %arg4[%dma_start3A_157, %dma_start3A_158] : memref<1000000x32xf32, #tpu.memory_space<hbm>> -> memref<1000000x32xf32, #tpu.memory_space<hbm>>
      tpu.enqueue_indirect_dma source(%dma_start3A_159 : memref<1000000x32xf32, #tpu.memory_space<hbm>>) target(%dma_start3A_153 : memref<128x32xf32, #tpu.memory_space<vmem>>) offsets(%dma_start3A_156 : memref<128xi32, #tpu.memory_space<vmem>>) semaphore(%arg12 : memref<!tpu.dma_semaphore, #tpu.memory_space<semaphore_mem>>)
      %mul3A_160 = arith.constant 4 : i32
      %mul3A_161 = arith.muli %add3A_120, %mul3A_160 : i32
      %add3A_162 = arith.constant 3 : i32
      %add3A_163 = arith.addi %mul3A_161, %add3A_162 : i32
      %dma_start3A_164 = arith.constant 384 : i32
      %dma_start3A_165 = arith.constant 0 : i32
      %dma_start3A_166 = tpu.memref_slice %arg9[%dma_start3A_164, %dma_start3A_165] : memref<512x32xf32, #tpu.memory_space<vmem>> -> memref<128x32xf32, #tpu.memory_space<vmem>>
      %dma_start3A_167 = arith.constant 0 : i32
      %dma_start3A_168 = tpu.memref_slice %arg6[%add3A_163, %dma_start3A_167] : memref<200x128xi32, #tpu.memory_space<vmem>> -> memref<1x128xi32, #tpu.memory_space<vmem>>
      %dma_start3A_169 = tpu.memref_squeeze %dma_start3A_168 : memref<1x128xi32, #tpu.memory_space<vmem>> -> memref<128xi32, #tpu.memory_space<vmem>>
      %dma_start3A_170 = arith.constant 0 : i32
      %dma_start3A_171 = arith.constant 0 : i32
      %dma_start3A_172 = tpu.memref_slice %arg4[%dma_start3A_170, %dma_start3A_171] : memref<1000000x32xf32, #tpu.memory_space<hbm>> -> memref<1000000x32xf32, #tpu.memory_space<hbm>>
      tpu.enqueue_indirect_dma source(%dma_start3A_172 : memref<1000000x32xf32, #tpu.memory_space<hbm>>) target(%dma_start3A_166 : memref<128x32xf32, #tpu.memory_space<vmem>>) offsets(%dma_start3A_169 : memref<128xi32, #tpu.memory_space<vmem>>) semaphore(%arg12 : memref<!tpu.dma_semaphore, #tpu.memory_space<semaphore_mem>>)
      %mul3A_173 = arith.constant 4 : i32
      %mul3A_174 = arith.muli %mul3A_67, %mul3A_173 : i32
      %add3A_175 = arith.constant 0 : i32
      %add3A_176 = arith.addi %mul3A_174, %add3A_175 : i32
      "tpu.region"() ({
        %run_scoped3A = tpu.sem_alloc : memref<!tpu.dma_semaphore, #tpu.memory_space<semaphore_mem>>
        %dma_start3A_265 = arith.constant 0 : i32
        %dma_start3A_266 = arith.constant 0 : i32
        %dma_start3A_267 = tpu.memref_slice %arg8[%dma_start3A_265, %dma_start3A_266] : memref<512x32xf32, #tpu.memory_space<vmem>> -> memref<128x32xf32, #tpu.memory_space<vmem>>
        %dma_start3A_268 = arith.constant 0 : i32
        %dma_start3A_269 = tpu.memref_slice %arg7[%add3A_176, %dma_start3A_268] : memref<200x128xi32, #tpu.memory_space<vmem>> -> memref<1x128xi32, #tpu.memory_space<vmem>>
        %dma_start3A_270 = tpu.memref_squeeze %dma_start3A_269 : memref<1x128xi32, #tpu.memory_space<vmem>> -> memref<128xi32, #tpu.memory_space<vmem>>
        %dma_start3A_271 = arith.constant 0 : i32
        %dma_start3A_272 = arith.constant 0 : i32
        %dma_start3A_273 = tpu.memref_slice %arg10[%dma_start3A_271, %dma_start3A_272] : memref<16384x32xf32, #tpu.memory_space<vmem_shared>> -> memref<16384x32xf32, #tpu.memory_space<vmem_shared>>
        tpu.enqueue_indirect_dma source(%dma_start3A_267 : memref<128x32xf32, #tpu.memory_space<vmem>>) target(%dma_start3A_273 : memref<16384x32xf32, #tpu.memory_space<vmem_shared>>) offsets(%dma_start3A_270 : memref<128xi32, #tpu.memory_space<vmem>>) semaphore(%run_scoped3A : memref<!tpu.dma_semaphore, #tpu.memory_space<semaphore_mem>>) {add = true}
        %dma_wait3A_274 = arith.constant 0 : i32
        %dma_wait3A_275 = arith.constant 0 : i32
        %dma_wait3A_276 = tpu.memref_slice %arg8[%dma_wait3A_274, %dma_wait3A_275] : memref<512x32xf32, #tpu.memory_space<vmem>> -> memref<128x32xf32, #tpu.memory_space<vmem>>
        %dma_wait3A_277 = arith.constant 0 : i32
        %dma_wait3A_278 = tpu.memref_slice %arg7[%add3A_176, %dma_wait3A_277] : memref<200x128xi32, #tpu.memory_space<vmem>> -> memref<1x128xi32, #tpu.memory_space<vmem>>
        %dma_wait3A_279 = tpu.memref_squeeze %dma_wait3A_278 : memref<1x128xi32, #tpu.memory_space<vmem>> -> memref<128xi32, #tpu.memory_space<vmem>>
        %dma_wait3A_280 = arith.constant 0 : i32
        %dma_wait3A_281 = arith.constant 0 : i32
        %dma_wait3A_282 = tpu.memref_slice %arg10[%dma_wait3A_280, %dma_wait3A_281] : memref<16384x32xf32, #tpu.memory_space<vmem_shared>> -> memref<16384x32xf32, #tpu.memory_space<vmem_shared>>
        tpu.wait_indirect_dma semaphore(%run_scoped3A : memref<!tpu.dma_semaphore, #tpu.memory_space<semaphore_mem>>) src(%dma_wait3A_276 : memref<128x32xf32, #tpu.memory_space<vmem>>) dst(%dma_wait3A_282 : memref<16384x32xf32, #tpu.memory_space<vmem_shared>>)
        tpu.yield
      }) : () -> ()
      %mul3A_177 = arith.constant 4 : i32
      %mul3A_178 = arith.muli %mul3A_67, %mul3A_177 : i32
      %add3A_179 = arith.constant 1 : i32
      %add3A_180 = arith.addi %mul3A_178, %add3A_179 : i32
      "tpu.region"() ({
        %run_scoped3A = tpu.sem_alloc : memref<!tpu.dma_semaphore, #tpu.memory_space<semaphore_mem>>
        %dma_start3A_265 = arith.constant 128 : i32
        %dma_start3A_266 = arith.constant 0 : i32
        %dma_start3A_267 = tpu.memref_slice %arg8[%dma_start3A_265, %dma_start3A_266] : memref<512x32xf32, #tpu.memory_space<vmem>> -> memref<128x32xf32, #tpu.memory_space<vmem>>
        %dma_start3A_268 = arith.constant 0 : i32
        %dma_start3A_269 = tpu.memref_slice %arg7[%add3A_180, %dma_start3A_268] : memref<200x128xi32, #tpu.memory_space<vmem>> -> memref<1x128xi32, #tpu.memory_space<vmem>>
        %dma_start3A_270 = tpu.memref_squeeze %dma_start3A_269 : memref<1x128xi32, #tpu.memory_space<vmem>> -> memref<128xi32, #tpu.memory_space<vmem>>
        %dma_start3A_271 = arith.constant 0 : i32
        %dma_start3A_272 = arith.constant 0 : i32
        %dma_start3A_273 = tpu.memref_slice %arg10[%dma_start3A_271, %dma_start3A_272] : memref<16384x32xf32, #tpu.memory_space<vmem_shared>> -> memref<16384x32xf32, #tpu.memory_space<vmem_shared>>
        tpu.enqueue_indirect_dma source(%dma_start3A_267 : memref<128x32xf32, #tpu.memory_space<vmem>>) target(%dma_start3A_273 : memref<16384x32xf32, #tpu.memory_space<vmem_shared>>) offsets(%dma_start3A_270 : memref<128xi32, #tpu.memory_space<vmem>>) semaphore(%run_scoped3A : memref<!tpu.dma_semaphore, #tpu.memory_space<semaphore_mem>>) {add = true}
        %dma_wait3A_274 = arith.constant 128 : i32
        %dma_wait3A_275 = arith.constant 0 : i32
        %dma_wait3A_276 = tpu.memref_slice %arg8[%dma_wait3A_274, %dma_wait3A_275] : memref<512x32xf32, #tpu.memory_space<vmem>> -> memref<128x32xf32, #tpu.memory_space<vmem>>
        %dma_wait3A_277 = arith.constant 0 : i32
        %dma_wait3A_278 = tpu.memref_slice %arg7[%add3A_180, %dma_wait3A_277] : memref<200x128xi32, #tpu.memory_space<vmem>> -> memref<1x128xi32, #tpu.memory_space<vmem>>
        %dma_wait3A_279 = tpu.memref_squeeze %dma_wait3A_278 : memref<1x128xi32, #tpu.memory_space<vmem>> -> memref<128xi32, #tpu.memory_space<vmem>>
        %dma_wait3A_280 = arith.constant 0 : i32
        %dma_wait3A_281 = arith.constant 0 : i32
        %dma_wait3A_282 = tpu.memref_slice %arg10[%dma_wait3A_280, %dma_wait3A_281] : memref<16384x32xf32, #tpu.memory_space<vmem_shared>> -> memref<16384x32xf32, #tpu.memory_space<vmem_shared>>
        tpu.wait_indirect_dma semaphore(%run_scoped3A : memref<!tpu.dma_semaphore, #tpu.memory_space<semaphore_mem>>) src(%dma_wait3A_276 : memref<128x32xf32, #tpu.memory_space<vmem>>) dst(%dma_wait3A_282 : memref<16384x32xf32, #tpu.memory_space<vmem_shared>>)
        tpu.yield
      }) : () -> ()
      %mul3A_181 = arith.constant 4 : i32
      %mul3A_182 = arith.muli %mul3A_67, %mul3A_181 : i32
      %add3A_183 = arith.constant 2 : i32
      %add3A_184 = arith.addi %mul3A_182, %add3A_183 : i32
      "tpu.region"() ({
        %run_scoped3A = tpu.sem_alloc : memref<!tpu.dma_semaphore, #tpu.memory_space<semaphore_mem>>
        %dma_start3A_265 = arith.constant 256 : i32
        %dma_start3A_266 = arith.constant 0 : i32
        %dma_start3A_267 = tpu.memref_slice %arg8[%dma_start3A_265, %dma_start3A_266] : memref<512x32xf32, #tpu.memory_space<vmem>> -> memref<128x32xf32, #tpu.memory_space<vmem>>
        %dma_start3A_268 = arith.constant 0 : i32
        %dma_start3A_269 = tpu.memref_slice %arg7[%add3A_184, %dma_start3A_268] : memref<200x128xi32, #tpu.memory_space<vmem>> -> memref<1x128xi32, #tpu.memory_space<vmem>>
        %dma_start3A_270 = tpu.memref_squeeze %dma_start3A_269 : memref<1x128xi32, #tpu.memory_space<vmem>> -> memref<128xi32, #tpu.memory_space<vmem>>
        %dma_start3A_271 = arith.constant 0 : i32
        %dma_start3A_272 = arith.constant 0 : i32
        %dma_start3A_273 = tpu.memref_slice %arg10[%dma_start3A_271, %dma_start3A_272] : memref<16384x32xf32, #tpu.memory_space<vmem_shared>> -> memref<16384x32xf32, #tpu.memory_space<vmem_shared>>
        tpu.enqueue_indirect_dma source(%dma_start3A_267 : memref<128x32xf32, #tpu.memory_space<vmem>>) target(%dma_start3A_273 : memref<16384x32xf32, #tpu.memory_space<vmem_shared>>) offsets(%dma_start3A_270 : memref<128xi32, #tpu.memory_space<vmem>>) semaphore(%run_scoped3A : memref<!tpu.dma_semaphore, #tpu.memory_space<semaphore_mem>>) {add = true}
        %dma_wait3A_274 = arith.constant 256 : i32
        %dma_wait3A_275 = arith.constant 0 : i32
        %dma_wait3A_276 = tpu.memref_slice %arg8[%dma_wait3A_274, %dma_wait3A_275] : memref<512x32xf32, #tpu.memory_space<vmem>> -> memref<128x32xf32, #tpu.memory_space<vmem>>
        %dma_wait3A_277 = arith.constant 0 : i32
        %dma_wait3A_278 = tpu.memref_slice %arg7[%add3A_184, %dma_wait3A_277] : memref<200x128xi32, #tpu.memory_space<vmem>> -> memref<1x128xi32, #tpu.memory_space<vmem>>
        %dma_wait3A_279 = tpu.memref_squeeze %dma_wait3A_278 : memref<1x128xi32, #tpu.memory_space<vmem>> -> memref<128xi32, #tpu.memory_space<vmem>>
        %dma_wait3A_280 = arith.constant 0 : i32
        %dma_wait3A_281 = arith.constant 0 : i32
        %dma_wait3A_282 = tpu.memref_slice %arg10[%dma_wait3A_280, %dma_wait3A_281] : memref<16384x32xf32, #tpu.memory_space<vmem_shared>> -> memref<16384x32xf32, #tpu.memory_space<vmem_shared>>
        tpu.wait_indirect_dma semaphore(%run_scoped3A : memref<!tpu.dma_semaphore, #tpu.memory_space<semaphore_mem>>) src(%dma_wait3A_276 : memref<128x32xf32, #tpu.memory_space<vmem>>) dst(%dma_wait3A_282 : memref<16384x32xf32, #tpu.memory_space<vmem_shared>>)
        tpu.yield
      }) : () -> ()
      %mul3A_185 = arith.constant 4 : i32
      %mul3A_186 = arith.muli %mul3A_67, %mul3A_185 : i32
      %add3A_187 = arith.constant 3 : i32
      %add3A_188 = arith.addi %mul3A_186, %add3A_187 : i32
      "tpu.region"() ({
        %run_scoped3A = tpu.sem_alloc : memref<!tpu.dma_semaphore, #tpu.memory_space<semaphore_mem>>
        %dma_start3A_265 = arith.constant 384 : i32
        %dma_start3A_266 = arith.constant 0 : i32
        %dma_start3A_267 = tpu.memref_slice %arg8[%dma_start3A_265, %dma_start3A_266] : memref<512x32xf32, #tpu.memory_space<vmem>> -> memref<128x32xf32, #tpu.memory_space<vmem>>
        %dma_start3A_268 = arith.constant 0 : i32
        %dma_start3A_269 = tpu.memref_slice %arg7[%add3A_188, %dma_start3A_268] : memref<200x128xi32, #tpu.memory_space<vmem>> -> memref<1x128xi32, #tpu.memory_space<vmem>>
        %dma_start3A_270 = tpu.memref_squeeze %dma_start3A_269 : memref<1x128xi32, #tpu.memory_space<vmem>> -> memref<128xi32, #tpu.memory_space<vmem>>
        %dma_start3A_271 = arith.constant 0 : i32
        %dma_start3A_272 = arith.constant 0 : i32
        %dma_start3A_273 = tpu.memref_slice %arg10[%dma_start3A_271, %dma_start3A_272] : memref<16384x32xf32, #tpu.memory_space<vmem_shared>> -> memref<16384x32xf32, #tpu.memory_space<vmem_shared>>
        tpu.enqueue_indirect_dma source(%dma_start3A_267 : memref<128x32xf32, #tpu.memory_space<vmem>>) target(%dma_start3A_273 : memref<16384x32xf32, #tpu.memory_space<vmem_shared>>) offsets(%dma_start3A_270 : memref<128xi32, #tpu.memory_space<vmem>>) semaphore(%run_scoped3A : memref<!tpu.dma_semaphore, #tpu.memory_space<semaphore_mem>>) {add = true}
        %dma_wait3A_274 = arith.constant 384 : i32
        %dma_wait3A_275 = arith.constant 0 : i32
        %dma_wait3A_276 = tpu.memref_slice %arg8[%dma_wait3A_274, %dma_wait3A_275] : memref<512x32xf32, #tpu.memory_space<vmem>> -> memref<128x32xf32, #tpu.memory_space<vmem>>
        %dma_wait3A_277 = arith.constant 0 : i32
        %dma_wait3A_278 = tpu.memref_slice %arg7[%add3A_188, %dma_wait3A_277] : memref<200x128xi32, #tpu.memory_space<vmem>> -> memref<1x128xi32, #tpu.memory_space<vmem>>
        %dma_wait3A_279 = tpu.memref_squeeze %dma_wait3A_278 : memref<1x128xi32, #tpu.memory_space<vmem>> -> memref<128xi32, #tpu.memory_space<vmem>>
        %dma_wait3A_280 = arith.constant 0 : i32
        %dma_wait3A_281 = arith.constant 0 : i32
        %dma_wait3A_282 = tpu.memref_slice %arg10[%dma_wait3A_280, %dma_wait3A_281] : memref<16384x32xf32, #tpu.memory_space<vmem_shared>> -> memref<16384x32xf32, #tpu.memory_space<vmem_shared>>
        tpu.wait_indirect_dma semaphore(%run_scoped3A : memref<!tpu.dma_semaphore, #tpu.memory_space<semaphore_mem>>) src(%dma_wait3A_276 : memref<128x32xf32, #tpu.memory_space<vmem>>) dst(%dma_wait3A_282 : memref<16384x32xf32, #tpu.memory_space<vmem_shared>>)
        tpu.yield
      }) : () -> ()
      %add3A_189 = arith.constant 1 : i32
      %add3A_190 = arith.addi %mul3A_67, %add3A_189 : i32
      %mul3A_191 = arith.constant 4 : i32
      %mul3A_192 = arith.muli %add3A_190, %mul3A_191 : i32
      %add3A_193 = arith.constant 0 : i32
      %add3A_194 = arith.addi %mul3A_192, %add3A_193 : i32
      %dma_wait3A_195 = arith.constant 0 : i32
      %dma_wait3A_196 = arith.constant 0 : i32
      %dma_wait3A_197 = tpu.memref_slice %arg9[%dma_wait3A_195, %dma_wait3A_196] : memref<512x32xf32, #tpu.memory_space<vmem>> -> memref<128x32xf32, #tpu.memory_space<vmem>>
      %dma_wait3A_198 = arith.constant 0 : i32
      %dma_wait3A_199 = tpu.memref_slice %arg6[%add3A_194, %dma_wait3A_198] : memref<200x128xi32, #tpu.memory_space<vmem>> -> memref<1x128xi32, #tpu.memory_space<vmem>>
      %dma_wait3A_200 = tpu.memref_squeeze %dma_wait3A_199 : memref<1x128xi32, #tpu.memory_space<vmem>> -> memref<128xi32, #tpu.memory_space<vmem>>
      %dma_wait3A_201 = arith.constant 0 : i32
      %dma_wait3A_202 = arith.constant 0 : i32
      %dma_wait3A_203 = tpu.memref_slice %arg4[%dma_wait3A_201, %dma_wait3A_202] : memref<1000000x32xf32, #tpu.memory_space<hbm>> -> memref<1000000x32xf32, #tpu.memory_space<hbm>>
      tpu.wait_indirect_dma semaphore(%arg12 : memref<!tpu.dma_semaphore, #tpu.memory_space<semaphore_mem>>) src(%dma_wait3A_203 : memref<1000000x32xf32, #tpu.memory_space<hbm>>) dst(%dma_wait3A_197 : memref<128x32xf32, #tpu.memory_space<vmem>>)
      %mul3A_204 = arith.constant 4 : i32
      %mul3A_205 = arith.muli %add3A_190, %mul3A_204 : i32
      %add3A_206 = arith.constant 1 : i32
      %add3A_207 = arith.addi %mul3A_205, %add3A_206 : i32
      %dma_wait3A_208 = arith.constant 128 : i32
      %dma_wait3A_209 = arith.constant 0 : i32
      %dma_wait3A_210 = tpu.memref_slice %arg9[%dma_wait3A_208, %dma_wait3A_209] : memref<512x32xf32, #tpu.memory_space<vmem>> -> memref<128x32xf32, #tpu.memory_space<vmem>>
      %dma_wait3A_211 = arith.constant 0 : i32
      %dma_wait3A_212 = tpu.memref_slice %arg6[%add3A_207, %dma_wait3A_211] : memref<200x128xi32, #tpu.memory_space<vmem>> -> memref<1x128xi32, #tpu.memory_space<vmem>>
      %dma_wait3A_213 = tpu.memref_squeeze %dma_wait3A_212 : memref<1x128xi32, #tpu.memory_space<vmem>> -> memref<128xi32, #tpu.memory_space<vmem>>
      %dma_wait3A_214 = arith.constant 0 : i32
      %dma_wait3A_215 = arith.constant 0 : i32
      %dma_wait3A_216 = tpu.memref_slice %arg4[%dma_wait3A_214, %dma_wait3A_215] : memref<1000000x32xf32, #tpu.memory_space<hbm>> -> memref<1000000x32xf32, #tpu.memory_space<hbm>>
      tpu.wait_indirect_dma semaphore(%arg12 : memref<!tpu.dma_semaphore, #tpu.memory_space<semaphore_mem>>) src(%dma_wait3A_216 : memref<1000000x32xf32, #tpu.memory_space<hbm>>) dst(%dma_wait3A_210 : memref<128x32xf32, #tpu.memory_space<vmem>>)
      %mul3A_217 = arith.constant 4 : i32
      %mul3A_218 = arith.muli %add3A_190, %mul3A_217 : i32
      %add3A_219 = arith.constant 2 : i32
      %add3A_220 = arith.addi %mul3A_218, %add3A_219 : i32
      %dma_wait3A_221 = arith.constant 256 : i32
      %dma_wait3A_222 = arith.constant 0 : i32
      %dma_wait3A_223 = tpu.memref_slice %arg9[%dma_wait3A_221, %dma_wait3A_222] : memref<512x32xf32, #tpu.memory_space<vmem>> -> memref<128x32xf32, #tpu.memory_space<vmem>>
      %dma_wait3A_224 = arith.constant 0 : i32
      %dma_wait3A_225 = tpu.memref_slice %arg6[%add3A_220, %dma_wait3A_224] : memref<200x128xi32, #tpu.memory_space<vmem>> -> memref<1x128xi32, #tpu.memory_space<vmem>>
      %dma_wait3A_226 = tpu.memref_squeeze %dma_wait3A_225 : memref<1x128xi32, #tpu.memory_space<vmem>> -> memref<128xi32, #tpu.memory_space<vmem>>
      %dma_wait3A_227 = arith.constant 0 : i32
      %dma_wait3A_228 = arith.constant 0 : i32
      %dma_wait3A_229 = tpu.memref_slice %arg4[%dma_wait3A_227, %dma_wait3A_228] : memref<1000000x32xf32, #tpu.memory_space<hbm>> -> memref<1000000x32xf32, #tpu.memory_space<hbm>>
      tpu.wait_indirect_dma semaphore(%arg12 : memref<!tpu.dma_semaphore, #tpu.memory_space<semaphore_mem>>) src(%dma_wait3A_229 : memref<1000000x32xf32, #tpu.memory_space<hbm>>) dst(%dma_wait3A_223 : memref<128x32xf32, #tpu.memory_space<vmem>>)
      %mul3A_230 = arith.constant 4 : i32
      %mul3A_231 = arith.muli %add3A_190, %mul3A_230 : i32
      %add3A_232 = arith.constant 3 : i32
      %add3A_233 = arith.addi %mul3A_231, %add3A_232 : i32
      %dma_wait3A_234 = arith.constant 384 : i32
      %dma_wait3A_235 = arith.constant 0 : i32
      %dma_wait3A_236 = tpu.memref_slice %arg9[%dma_wait3A_234, %dma_wait3A_235] : memref<512x32xf32, #tpu.memory_space<vmem>> -> memref<128x32xf32, #tpu.memory_space<vmem>>
      %dma_wait3A_237 = arith.constant 0 : i32
      %dma_wait3A_238 = tpu.memref_slice %arg6[%add3A_233, %dma_wait3A_237] : memref<200x128xi32, #tpu.memory_space<vmem>> -> memref<1x128xi32, #tpu.memory_space<vmem>>
      %dma_wait3A_239 = tpu.memref_squeeze %dma_wait3A_238 : memref<1x128xi32, #tpu.memory_space<vmem>> -> memref<128xi32, #tpu.memory_space<vmem>>
      %dma_wait3A_240 = arith.constant 0 : i32
      %dma_wait3A_241 = arith.constant 0 : i32
      %dma_wait3A_242 = tpu.memref_slice %arg4[%dma_wait3A_240, %dma_wait3A_241] : memref<1000000x32xf32, #tpu.memory_space<hbm>> -> memref<1000000x32xf32, #tpu.memory_space<hbm>>
      tpu.wait_indirect_dma semaphore(%arg12 : memref<!tpu.dma_semaphore, #tpu.memory_space<semaphore_mem>>) src(%dma_wait3A_242 : memref<1000000x32xf32, #tpu.memory_space<hbm>>) dst(%dma_wait3A_236 : memref<128x32xf32, #tpu.memory_space<vmem>>)
      %add3A_243 = arith.constant 2 : i32
      %add3A_244 = arith.addi %mul3A_67, %add3A_243 : i32
      %lt3A = arith.constant 50 : i32
      %lt3A_245 = arith.cmpi slt, %add3A_244, %lt3A : i32
      %convert_element_type3A = arith.extui %lt3A_245 : i1 to i32
      %cond3A = arith.constant 0 : i32
      %cond3A_246 = arith.cmpi ne, %convert_element_type3A, %cond3A : i32
      scf.if %cond3A_246 {
        %add3A_265 = arith.constant 2 : i32
        %add3A_266 = arith.addi %mul3A_67, %add3A_265 : i32
        %mul3A_267 = arith.constant 4 : i32
        %mul3A_268 = arith.muli %add3A_266, %mul3A_267 : i32
        %add3A_269 = arith.constant 0 : i32
        %add3A_270 = arith.addi %mul3A_268, %add3A_269 : i32
        %dma_start3A_271 = arith.constant 0 : i32
        %dma_start3A_272 = arith.constant 0 : i32
        %dma_start3A_273 = tpu.memref_slice %arg8[%dma_start3A_271, %dma_start3A_272] : memref<512x32xf32, #tpu.memory_space<vmem>> -> memref<128x32xf32, #tpu.memory_space<vmem>>
        %dma_start3A_274 = arith.constant 0 : i32
        %dma_start3A_275 = tpu.memref_slice %arg6[%add3A_270, %dma_start3A_274] : memref<200x128xi32, #tpu.memory_space<vmem>> -> memref<1x128xi32, #tpu.memory_space<vmem>>
        %dma_start3A_276 = tpu.memref_squeeze %dma_start3A_275 : memref<1x128xi32, #tpu.memory_space<vmem>> -> memref<128xi32, #tpu.memory_space<vmem>>
        %dma_start3A_277 = arith.constant 0 : i32
        %dma_start3A_278 = arith.constant 0 : i32
        %dma_start3A_279 = tpu.memref_slice %arg4[%dma_start3A_277, %dma_start3A_278] : memref<1000000x32xf32, #tpu.memory_space<hbm>> -> memref<1000000x32xf32, #tpu.memory_space<hbm>>
        tpu.enqueue_indirect_dma source(%dma_start3A_279 : memref<1000000x32xf32, #tpu.memory_space<hbm>>) target(%dma_start3A_273 : memref<128x32xf32, #tpu.memory_space<vmem>>) offsets(%dma_start3A_276 : memref<128xi32, #tpu.memory_space<vmem>>) semaphore(%arg11 : memref<!tpu.dma_semaphore, #tpu.memory_space<semaphore_mem>>)
        %mul3A_280 = arith.constant 4 : i32
        %mul3A_281 = arith.muli %add3A_266, %mul3A_280 : i32
        %add3A_282 = arith.constant 1 : i32
        %add3A_283 = arith.addi %mul3A_281, %add3A_282 : i32
        %dma_start3A_284 = arith.constant 128 : i32
        %dma_start3A_285 = arith.constant 0 : i32
        %dma_start3A_286 = tpu.memref_slice %arg8[%dma_start3A_284, %dma_start3A_285] : memref<512x32xf32, #tpu.memory_space<vmem>> -> memref<128x32xf32, #tpu.memory_space<vmem>>
        %dma_start3A_287 = arith.constant 0 : i32
        %dma_start3A_288 = tpu.memref_slice %arg6[%add3A_283, %dma_start3A_287] : memref<200x128xi32, #tpu.memory_space<vmem>> -> memref<1x128xi32, #tpu.memory_space<vmem>>
        %dma_start3A_289 = tpu.memref_squeeze %dma_start3A_288 : memref<1x128xi32, #tpu.memory_space<vmem>> -> memref<128xi32, #tpu.memory_space<vmem>>
        %dma_start3A_290 = arith.constant 0 : i32
        %dma_start3A_291 = arith.constant 0 : i32
        %dma_start3A_292 = tpu.memref_slice %arg4[%dma_start3A_290, %dma_start3A_291] : memref<1000000x32xf32, #tpu.memory_space<hbm>> -> memref<1000000x32xf32, #tpu.memory_space<hbm>>
        tpu.enqueue_indirect_dma source(%dma_start3A_292 : memref<1000000x32xf32, #tpu.memory_space<hbm>>) target(%dma_start3A_286 : memref<128x32xf32, #tpu.memory_space<vmem>>) offsets(%dma_start3A_289 : memref<128xi32, #tpu.memory_space<vmem>>) semaphore(%arg11 : memref<!tpu.dma_semaphore, #tpu.memory_space<semaphore_mem>>)
        %mul3A_293 = arith.constant 4 : i32
        %mul3A_294 = arith.muli %add3A_266, %mul3A_293 : i32
        %add3A_295 = arith.constant 2 : i32
        %add3A_296 = arith.addi %mul3A_294, %add3A_295 : i32
        %dma_start3A_297 = arith.constant 256 : i32
        %dma_start3A_298 = arith.constant 0 : i32
        %dma_start3A_299 = tpu.memref_slice %arg8[%dma_start3A_297, %dma_start3A_298] : memref<512x32xf32, #tpu.memory_space<vmem>> -> memref<128x32xf32, #tpu.memory_space<vmem>>
        %dma_start3A_300 = arith.constant 0 : i32
        %dma_start3A_301 = tpu.memref_slice %arg6[%add3A_296, %dma_start3A_300] : memref<200x128xi32, #tpu.memory_space<vmem>> -> memref<1x128xi32, #tpu.memory_space<vmem>>
        %dma_start3A_302 = tpu.memref_squeeze %dma_start3A_301 : memref<1x128xi32, #tpu.memory_space<vmem>> -> memref<128xi32, #tpu.memory_space<vmem>>
        %dma_start3A_303 = arith.constant 0 : i32
        %dma_start3A_304 = arith.constant 0 : i32
        %dma_start3A_305 = tpu.memref_slice %arg4[%dma_start3A_303, %dma_start3A_304] : memref<1000000x32xf32, #tpu.memory_space<hbm>> -> memref<1000000x32xf32, #tpu.memory_space<hbm>>
        tpu.enqueue_indirect_dma source(%dma_start3A_305 : memref<1000000x32xf32, #tpu.memory_space<hbm>>) target(%dma_start3A_299 : memref<128x32xf32, #tpu.memory_space<vmem>>) offsets(%dma_start3A_302 : memref<128xi32, #tpu.memory_space<vmem>>) semaphore(%arg11 : memref<!tpu.dma_semaphore, #tpu.memory_space<semaphore_mem>>)
        %mul3A_306 = arith.constant 4 : i32
        %mul3A_307 = arith.muli %add3A_266, %mul3A_306 : i32
        %add3A_308 = arith.constant 3 : i32
        %add3A_309 = arith.addi %mul3A_307, %add3A_308 : i32
        %dma_start3A_310 = arith.constant 384 : i32
        %dma_start3A_311 = arith.constant 0 : i32
        %dma_start3A_312 = tpu.memref_slice %arg8[%dma_start3A_310, %dma_start3A_311] : memref<512x32xf32, #tpu.memory_space<vmem>> -> memref<128x32xf32, #tpu.memory_space<vmem>>
        %dma_start3A_313 = arith.constant 0 : i32
        %dma_start3A_314 = tpu.memref_slice %arg6[%add3A_309, %dma_start3A_313] : memref<200x128xi32, #tpu.memory_space<vmem>> -> memref<1x128xi32, #tpu.memory_space<vmem>>
        %dma_start3A_315 = tpu.memref_squeeze %dma_start3A_314 : memref<1x128xi32, #tpu.memory_space<vmem>> -> memref<128xi32, #tpu.memory_space<vmem>>
        %dma_start3A_316 = arith.constant 0 : i32
        %dma_start3A_317 = arith.constant 0 : i32
        %dma_start3A_318 = tpu.memref_slice %arg4[%dma_start3A_316, %dma_start3A_317] : memref<1000000x32xf32, #tpu.memory_space<hbm>> -> memref<1000000x32xf32, #tpu.memory_space<hbm>>
        tpu.enqueue_indirect_dma source(%dma_start3A_318 : memref<1000000x32xf32, #tpu.memory_space<hbm>>) target(%dma_start3A_312 : memref<128x32xf32, #tpu.memory_space<vmem>>) offsets(%dma_start3A_315 : memref<128xi32, #tpu.memory_space<vmem>>) semaphore(%arg11 : memref<!tpu.dma_semaphore, #tpu.memory_space<semaphore_mem>>)
      } else {
      }
      %add3A_247 = arith.constant 1 : i32
      %add3A_248 = arith.addi %mul3A_67, %add3A_247 : i32
      %mul3A_249 = arith.constant 4 : i32
      %mul3A_250 = arith.muli %add3A_248, %mul3A_249 : i32
      %add3A_251 = arith.constant 0 : i32
      %add3A_252 = arith.addi %mul3A_250, %add3A_251 : i32
      "tpu.region"() ({
        %run_scoped3A = tpu.sem_alloc : memref<!tpu.dma_semaphore, #tpu.memory_space<semaphore_mem>>
        %dma_start3A_265 = arith.constant 0 : i32
        %dma_start3A_266 = arith.constant 0 : i32
        %dma_start3A_267 = tpu.memref_slice %arg9[%dma_start3A_265, %dma_start3A_266] : memref<512x32xf32, #tpu.memory_space<vmem>> -> memref<128x32xf32, #tpu.memory_space<vmem>>
        %dma_start3A_268 = arith.constant 0 : i32
        %dma_start3A_269 = tpu.memref_slice %arg7[%add3A_252, %dma_start3A_268] : memref<200x128xi32, #tpu.memory_space<vmem>> -> memref<1x128xi32, #tpu.memory_space<vmem>>
        %dma_start3A_270 = tpu.memref_squeeze %dma_start3A_269 : memref<1x128xi32, #tpu.memory_space<vmem>> -> memref<128xi32, #tpu.memory_space<vmem>>
        %dma_start3A_271 = arith.constant 0 : i32
        %dma_start3A_272 = arith.constant 0 : i32
        %dma_start3A_273 = tpu.memref_slice %arg10[%dma_start3A_271, %dma_start3A_272] : memref<16384x32xf32, #tpu.memory_space<vmem_shared>> -> memref<16384x32xf32, #tpu.memory_space<vmem_shared>>
        tpu.enqueue_indirect_dma source(%dma_start3A_267 : memref<128x32xf32, #tpu.memory_space<vmem>>) target(%dma_start3A_273 : memref<16384x32xf32, #tpu.memory_space<vmem_shared>>) offsets(%dma_start3A_270 : memref<128xi32, #tpu.memory_space<vmem>>) semaphore(%run_scoped3A : memref<!tpu.dma_semaphore, #tpu.memory_space<semaphore_mem>>) {add = true}
        %dma_wait3A_274 = arith.constant 0 : i32
        %dma_wait3A_275 = arith.constant 0 : i32
        %dma_wait3A_276 = tpu.memref_slice %arg9[%dma_wait3A_274, %dma_wait3A_275] : memref<512x32xf32, #tpu.memory_space<vmem>> -> memref<128x32xf32, #tpu.memory_space<vmem>>
        %dma_wait3A_277 = arith.constant 0 : i32
        %dma_wait3A_278 = tpu.memref_slice %arg7[%add3A_252, %dma_wait3A_277] : memref<200x128xi32, #tpu.memory_space<vmem>> -> memref<1x128xi32, #tpu.memory_space<vmem>>
        %dma_wait3A_279 = tpu.memref_squeeze %dma_wait3A_278 : memref<1x128xi32, #tpu.memory_space<vmem>> -> memref<128xi32, #tpu.memory_space<vmem>>
        %dma_wait3A_280 = arith.constant 0 : i32
        %dma_wait3A_281 = arith.constant 0 : i32
        %dma_wait3A_282 = tpu.memref_slice %arg10[%dma_wait3A_280, %dma_wait3A_281] : memref<16384x32xf32, #tpu.memory_space<vmem_shared>> -> memref<16384x32xf32, #tpu.memory_space<vmem_shared>>
        tpu.wait_indirect_dma semaphore(%run_scoped3A : memref<!tpu.dma_semaphore, #tpu.memory_space<semaphore_mem>>) src(%dma_wait3A_276 : memref<128x32xf32, #tpu.memory_space<vmem>>) dst(%dma_wait3A_282 : memref<16384x32xf32, #tpu.memory_space<vmem_shared>>)
        tpu.yield
      }) : () -> ()
      %mul3A_253 = arith.constant 4 : i32
      %mul3A_254 = arith.muli %add3A_248, %mul3A_253 : i32
      %add3A_255 = arith.constant 1 : i32
      %add3A_256 = arith.addi %mul3A_254, %add3A_255 : i32
      "tpu.region"() ({
        %run_scoped3A = tpu.sem_alloc : memref<!tpu.dma_semaphore, #tpu.memory_space<semaphore_mem>>
        %dma_start3A_265 = arith.constant 128 : i32
        %dma_start3A_266 = arith.constant 0 : i32
        %dma_start3A_267 = tpu.memref_slice %arg9[%dma_start3A_265, %dma_start3A_266] : memref<512x32xf32, #tpu.memory_space<vmem>> -> memref<128x32xf32, #tpu.memory_space<vmem>>
        %dma_start3A_268 = arith.constant 0 : i32
        %dma_start3A_269 = tpu.memref_slice %arg7[%add3A_256, %dma_start3A_268] : memref<200x128xi32, #tpu.memory_space<vmem>> -> memref<1x128xi32, #tpu.memory_space<vmem>>
        %dma_start3A_270 = tpu.memref_squeeze %dma_start3A_269 : memref<1x128xi32, #tpu.memory_space<vmem>> -> memref<128xi32, #tpu.memory_space<vmem>>
        %dma_start3A_271 = arith.constant 0 : i32
        %dma_start3A_272 = arith.constant 0 : i32
        %dma_start3A_273 = tpu.memref_slice %arg10[%dma_start3A_271, %dma_start3A_272] : memref<16384x32xf32, #tpu.memory_space<vmem_shared>> -> memref<16384x32xf32, #tpu.memory_space<vmem_shared>>
        tpu.enqueue_indirect_dma source(%dma_start3A_267 : memref<128x32xf32, #tpu.memory_space<vmem>>) target(%dma_start3A_273 : memref<16384x32xf32, #tpu.memory_space<vmem_shared>>) offsets(%dma_start3A_270 : memref<128xi32, #tpu.memory_space<vmem>>) semaphore(%run_scoped3A : memref<!tpu.dma_semaphore, #tpu.memory_space<semaphore_mem>>) {add = true}
        %dma_wait3A_274 = arith.constant 128 : i32
        %dma_wait3A_275 = arith.constant 0 : i32
        %dma_wait3A_276 = tpu.memref_slice %arg9[%dma_wait3A_274, %dma_wait3A_275] : memref<512x32xf32, #tpu.memory_space<vmem>> -> memref<128x32xf32, #tpu.memory_space<vmem>>
        %dma_wait3A_277 = arith.constant 0 : i32
        %dma_wait3A_278 = tpu.memref_slice %arg7[%add3A_256, %dma_wait3A_277] : memref<200x128xi32, #tpu.memory_space<vmem>> -> memref<1x128xi32, #tpu.memory_space<vmem>>
        %dma_wait3A_279 = tpu.memref_squeeze %dma_wait3A_278 : memref<1x128xi32, #tpu.memory_space<vmem>> -> memref<128xi32, #tpu.memory_space<vmem>>
        %dma_wait3A_280 = arith.constant 0 : i32
        %dma_wait3A_281 = arith.constant 0 : i32
        %dma_wait3A_282 = tpu.memref_slice %arg10[%dma_wait3A_280, %dma_wait3A_281] : memref<16384x32xf32, #tpu.memory_space<vmem_shared>> -> memref<16384x32xf32, #tpu.memory_space<vmem_shared>>
        tpu.wait_indirect_dma semaphore(%run_scoped3A : memref<!tpu.dma_semaphore, #tpu.memory_space<semaphore_mem>>) src(%dma_wait3A_276 : memref<128x32xf32, #tpu.memory_space<vmem>>) dst(%dma_wait3A_282 : memref<16384x32xf32, #tpu.memory_space<vmem_shared>>)
        tpu.yield
      }) : () -> ()
      %mul3A_257 = arith.constant 4 : i32
      %mul3A_258 = arith.muli %add3A_248, %mul3A_257 : i32
      %add3A_259 = arith.constant 2 : i32
      %add3A_260 = arith.addi %mul3A_258, %add3A_259 : i32
      "tpu.region"() ({
        %run_scoped3A = tpu.sem_alloc : memref<!tpu.dma_semaphore, #tpu.memory_space<semaphore_mem>>
        %dma_start3A_265 = arith.constant 256 : i32
        %dma_start3A_266 = arith.constant 0 : i32
        %dma_start3A_267 = tpu.memref_slice %arg9[%dma_start3A_265, %dma_start3A_266] : memref<512x32xf32, #tpu.memory_space<vmem>> -> memref<128x32xf32, #tpu.memory_space<vmem>>
        %dma_start3A_268 = arith.constant 0 : i32
        %dma_start3A_269 = tpu.memref_slice %arg7[%add3A_260, %dma_start3A_268] : memref<200x128xi32, #tpu.memory_space<vmem>> -> memref<1x128xi32, #tpu.memory_space<vmem>>
        %dma_start3A_270 = tpu.memref_squeeze %dma_start3A_269 : memref<1x128xi32, #tpu.memory_space<vmem>> -> memref<128xi32, #tpu.memory_space<vmem>>
        %dma_start3A_271 = arith.constant 0 : i32
        %dma_start3A_272 = arith.constant 0 : i32
        %dma_start3A_273 = tpu.memref_slice %arg10[%dma_start3A_271, %dma_start3A_272] : memref<16384x32xf32, #tpu.memory_space<vmem_shared>> -> memref<16384x32xf32, #tpu.memory_space<vmem_shared>>
        tpu.enqueue_indirect_dma source(%dma_start3A_267 : memref<128x32xf32, #tpu.memory_space<vmem>>) target(%dma_start3A_273 : memref<16384x32xf32, #tpu.memory_space<vmem_shared>>) offsets(%dma_start3A_270 : memref<128xi32, #tpu.memory_space<vmem>>) semaphore(%run_scoped3A : memref<!tpu.dma_semaphore, #tpu.memory_space<semaphore_mem>>) {add = true}
        %dma_wait3A_274 = arith.constant 256 : i32
        %dma_wait3A_275 = arith.constant 0 : i32
        %dma_wait3A_276 = tpu.memref_slice %arg9[%dma_wait3A_274, %dma_wait3A_275] : memref<512x32xf32, #tpu.memory_space<vmem>> -> memref<128x32xf32, #tpu.memory_space<vmem>>
        %dma_wait3A_277 = arith.constant 0 : i32
        %dma_wait3A_278 = tpu.memref_slice %arg7[%add3A_260, %dma_wait3A_277] : memref<200x128xi32, #tpu.memory_space<vmem>> -> memref<1x128xi32, #tpu.memory_space<vmem>>
        %dma_wait3A_279 = tpu.memref_squeeze %dma_wait3A_278 : memref<1x128xi32, #tpu.memory_space<vmem>> -> memref<128xi32, #tpu.memory_space<vmem>>
        %dma_wait3A_280 = arith.constant 0 : i32
        %dma_wait3A_281 = arith.constant 0 : i32
        %dma_wait3A_282 = tpu.memref_slice %arg10[%dma_wait3A_280, %dma_wait3A_281] : memref<16384x32xf32, #tpu.memory_space<vmem_shared>> -> memref<16384x32xf32, #tpu.memory_space<vmem_shared>>
        tpu.wait_indirect_dma semaphore(%run_scoped3A : memref<!tpu.dma_semaphore, #tpu.memory_space<semaphore_mem>>) src(%dma_wait3A_276 : memref<128x32xf32, #tpu.memory_space<vmem>>) dst(%dma_wait3A_282 : memref<16384x32xf32, #tpu.memory_space<vmem_shared>>)
        tpu.yield
      }) : () -> ()
      %mul3A_261 = arith.constant 4 : i32
      %mul3A_262 = arith.muli %add3A_248, %mul3A_261 : i32
      %add3A_263 = arith.constant 3 : i32
      %add3A_264 = arith.addi %mul3A_262, %add3A_263 : i32
      "tpu.region"() ({
        %run_scoped3A = tpu.sem_alloc : memref<!tpu.dma_semaphore, #tpu.memory_space<semaphore_mem>>
        %dma_start3A_265 = arith.constant 384 : i32
        %dma_start3A_266 = arith.constant 0 : i32
        %dma_start3A_267 = tpu.memref_slice %arg9[%dma_start3A_265, %dma_start3A_266] : memref<512x32xf32, #tpu.memory_space<vmem>> -> memref<128x32xf32, #tpu.memory_space<vmem>>
        %dma_start3A_268 = arith.constant 0 : i32
        %dma_start3A_269 = tpu.memref_slice %arg7[%add3A_264, %dma_start3A_268] : memref<200x128xi32, #tpu.memory_space<vmem>> -> memref<1x128xi32, #tpu.memory_space<vmem>>
        %dma_start3A_270 = tpu.memref_squeeze %dma_start3A_269 : memref<1x128xi32, #tpu.memory_space<vmem>> -> memref<128xi32, #tpu.memory_space<vmem>>
        %dma_start3A_271 = arith.constant 0 : i32
        %dma_start3A_272 = arith.constant 0 : i32
        %dma_start3A_273 = tpu.memref_slice %arg10[%dma_start3A_271, %dma_start3A_272] : memref<16384x32xf32, #tpu.memory_space<vmem_shared>> -> memref<16384x32xf32, #tpu.memory_space<vmem_shared>>
        tpu.enqueue_indirect_dma source(%dma_start3A_267 : memref<128x32xf32, #tpu.memory_space<vmem>>) target(%dma_start3A_273 : memref<16384x32xf32, #tpu.memory_space<vmem_shared>>) offsets(%dma_start3A_270 : memref<128xi32, #tpu.memory_space<vmem>>) semaphore(%run_scoped3A : memref<!tpu.dma_semaphore, #tpu.memory_space<semaphore_mem>>) {add = true}
        %dma_wait3A_274 = arith.constant 384 : i32
        %dma_wait3A_275 = arith.constant 0 : i32
        %dma_wait3A_276 = tpu.memref_slice %arg9[%dma_wait3A_274, %dma_wait3A_275] : memref<512x32xf32, #tpu.memory_space<vmem>> -> memref<128x32xf32, #tpu.memory_space<vmem>>
        %dma_wait3A_277 = arith.constant 0 : i32
        %dma_wait3A_278 = tpu.memref_slice %arg7[%add3A_264, %dma_wait3A_277] : memref<200x128xi32, #tpu.memory_space<vmem>> -> memref<1x128xi32, #tpu.memory_space<vmem>>
        %dma_wait3A_279 = tpu.memref_squeeze %dma_wait3A_278 : memref<1x128xi32, #tpu.memory_space<vmem>> -> memref<128xi32, #tpu.memory_space<vmem>>
        %dma_wait3A_280 = arith.constant 0 : i32
        %dma_wait3A_281 = arith.constant 0 : i32
        %dma_wait3A_282 = tpu.memref_slice %arg10[%dma_wait3A_280, %dma_wait3A_281] : memref<16384x32xf32, #tpu.memory_space<vmem_shared>> -> memref<16384x32xf32, #tpu.memory_space<vmem_shared>>
        tpu.wait_indirect_dma semaphore(%run_scoped3A : memref<!tpu.dma_semaphore, #tpu.memory_space<semaphore_mem>>) src(%dma_wait3A_276 : memref<128x32xf32, #tpu.memory_space<vmem>>) dst(%dma_wait3A_282 : memref<16384x32xf32, #tpu.memory_space<vmem_shared>>)
        tpu.yield
      }) : () -> ()
    }
    %scan3A_55 = arith.constant 25 : i32
    "tpu.region"() ({
      %run_scoped3A = tpu.sem_alloc : memref<!tpu.dma_semaphore, #tpu.memory_space<semaphore_mem>>
      %dma_start3A_61 = arith.constant 0 : i32
      %dma_start3A_62 = arith.constant 0 : i32
      %dma_start3A_63 = tpu.memref_slice %arg8[%dma_start3A_61, %dma_start3A_62] : memref<512x32xf32, #tpu.memory_space<vmem>> -> memref<512x32xf32, #tpu.memory_space<vmem>>
      %dma_start3A_64 = arith.constant 0 : i32
      %dma_start3A_65 = tpu.memref_slice %arg10[%mul3A_4, %dma_start3A_64] : memref<16384x32xf32, #tpu.memory_space<vmem_shared>> -> memref<512x32xf32, #tpu.memory_space<vmem_shared>>
      %dma_start3A_66 = arith.constant 0 : i32
      %dma_start3A_67 = arith.constant 0 : i32
      %dma_start3A_68 = tpu.memref_slice %arg8[%dma_start3A_66, %dma_start3A_67] : memref<512x32xf32, #tpu.memory_space<vmem>> -> memref<512x32xf32, #tpu.memory_space<vmem>>
      %dma_start3A_69 = arith.constant 0 : i32
      %dma_start3A_70 = tpu.memref_slice %arg10[%mul3A_4, %dma_start3A_69] : memref<16384x32xf32, #tpu.memory_space<vmem_shared>> -> memref<512x32xf32, #tpu.memory_space<vmem_shared>>
      tpu.enqueue_dma source(%dma_start3A_70 : memref<512x32xf32, #tpu.memory_space<vmem_shared>>) target(%dma_start3A_68 : memref<512x32xf32, #tpu.memory_space<vmem>>) target_semaphore(%run_scoped3A : memref<!tpu.dma_semaphore, #tpu.memory_space<semaphore_mem>>)
      %dma_wait3A = arith.constant 0 : i32
      %dma_wait3A_71 = arith.constant 0 : i32
      %dma_wait3A_72 = tpu.memref_slice %arg8[%dma_wait3A, %dma_wait3A_71] : memref<512x32xf32, #tpu.memory_space<vmem>> -> memref<512x32xf32, #tpu.memory_space<vmem>>
      %dma_wait3A_73 = arith.constant 0 : i32
      %dma_wait3A_74 = tpu.memref_slice %arg10[%mul3A_4, %dma_wait3A_73] : memref<16384x32xf32, #tpu.memory_space<vmem_shared>> -> memref<512x32xf32, #tpu.memory_space<vmem_shared>>
      %dma_wait3A_75 = arith.constant 0 : i32
      %dma_wait3A_76 = arith.constant 0 : i32
      %dma_wait3A_77 = tpu.memref_slice %arg8[%dma_wait3A_75, %dma_wait3A_76] : memref<512x32xf32, #tpu.memory_space<vmem>> -> memref<512x32xf32, #tpu.memory_space<vmem>>
      %dma_wait3A_78 = arith.constant 0 : i32
      %dma_wait3A_79 = tpu.memref_slice %arg10[%mul3A_4, %dma_wait3A_78] : memref<16384x32xf32, #tpu.memory_space<vmem_shared>> -> memref<512x32xf32, #tpu.memory_space<vmem_shared>>
      tpu.wait_dma2 semaphore(%run_scoped3A : memref<!tpu.dma_semaphore, #tpu.memory_space<semaphore_mem>>) src(%dma_wait3A_79 : memref<512x32xf32, #tpu.memory_space<vmem_shared>>) dst(%dma_wait3A_77 : memref<512x32xf32, #tpu.memory_space<vmem>>)
      tpu.yield
    }) : () -> ()
    %scan3A_56 = arith.constant 0 : i32
    %scan3A_57 = arith.constant 128 : i32
    %scan3A_58 = arith.addi %scan3A_56, %scan3A_57 : i32
    %scan3A_59 = arith.constant 1 : i32
    scf.for %scan3A_61 = %scan3A_56 to %scan3A_58 step %scan3A_59  : i32 {
      %mul3A_62 = arith.constant 1 : i32
      %mul3A_63 = arith.muli %scan3A_61, %mul3A_62 : i32
      %add3A_64 = arith.constant 0 : i32
      %add3A_65 = arith.addi %add3A_64, %mul3A_63 : i32
      %mul3A_66 = arith.constant 4 : i32
      %mul3A_67 = arith.muli %mul3A_66, %add3A_65 : i32
      %get3A = arith.index_cast %mul3A_67 : i32 to index
      %get3A_68 = arith.constant 0 : index
      %get3A_69 = tpu.vector_load %arg8[%get3A, %get3A_68] {strides = array<i32>} : memref<512x32xf32, #tpu.memory_space<vmem>>, vector<1x16xf32>,
      %get3A_70 = vector.shape_cast %get3A_69 : vector<1x16xf32> to vector<16xf32>
      %add3A_71 = arith.constant 1 : i32
      %add3A_72 = arith.addi %mul3A_67, %add3A_71 : i32
      %get3A_73 = arith.index_cast %add3A_72 : i32 to index
      %get3A_74 = arith.constant 0 : index
      %get3A_75 = tpu.vector_load %arg8[%get3A_73, %get3A_74] {strides = array<i32>} : memref<512x32xf32, #tpu.memory_space<vmem>>, vector<1x16xf32>,
      %get3A_76 = vector.shape_cast %get3A_75 : vector<1x16xf32> to vector<16xf32>
      %add3A_77 = arith.addf %get3A_70, %get3A_76 : vector<16xf32>
      %add3A_78 = arith.constant 2 : i32
      %add3A_79 = arith.addi %mul3A_67, %add3A_78 : i32
      %get3A_80 = arith.index_cast %add3A_79 : i32 to index
      %get3A_81 = arith.constant 0 : index
      %get3A_82 = tpu.vector_load %arg8[%get3A_80, %get3A_81] {strides = array<i32>} : memref<512x32xf32, #tpu.memory_space<vmem>>, vector<1x16xf32>,
      %get3A_83 = vector.shape_cast %get3A_82 : vector<1x16xf32> to vector<16xf32>
      %add3A_84 = arith.constant 3 : i32
      %add3A_85 = arith.addi %mul3A_67, %add3A_84 : i32
      %get3A_86 = arith.index_cast %add3A_85 : i32 to index
      %get3A_87 = arith.constant 0 : index
      %get3A_88 = tpu.vector_load %arg8[%get3A_86, %get3A_87] {strides = array<i32>} : memref<512x32xf32, #tpu.memory_space<vmem>>, vector<1x16xf32>,
      %get3A_89 = vector.shape_cast %get3A_88 : vector<1x16xf32> to vector<16xf32>
      %add3A_90 = arith.addf %get3A_83, %get3A_89 : vector<16xf32>
      %add3A_91 = arith.addf %add3A_77, %add3A_90 : vector<16xf32>
      %swap3A = arith.index_cast %add3A_65 : i32 to index
      %swap3A_92 = arith.constant 0 : index
      %swap3A_93 = tpu.vector_load %arg9[%swap3A, %swap3A_92] {strides = array<i32>} : memref<512x32xf32, #tpu.memory_space<vmem>>, vector<1x16xf32>,
      %swap3A_94 = vector.shape_cast %swap3A_93 : vector<1x16xf32> to vector<16xf32>
      %swap3A_95 = vector.shape_cast %add3A_91 : vector<16xf32> to vector<1x16xf32>
      tpu.vector_store %arg9[%swap3A, %swap3A_92], %swap3A_95 {strides = array<i32>} : memref<512x32xf32, #tpu.memory_space<vmem>>, vector<1x16xf32>,
      %get3A_96 = arith.index_cast %mul3A_67 : i32 to index
      %get3A_97 = arith.constant 16 : index
      %get3A_98 = tpu.vector_load %arg8[%get3A_96, %get3A_97] {strides = array<i32>} : memref<512x32xf32, #tpu.memory_space<vmem>>, vector<1x16xf32>,
      %get3A_99 = vector.shape_cast %get3A_98 : vector<1x16xf32> to vector<16xf32>
      %add3A_100 = arith.constant 1 : i32
      %add3A_101 = arith.addi %mul3A_67, %add3A_100 : i32
      %get3A_102 = arith.index_cast %add3A_101 : i32 to index
      %get3A_103 = arith.constant 16 : index
      %get3A_104 = tpu.vector_load %arg8[%get3A_102, %get3A_103] {strides = array<i32>} : memref<512x32xf32, #tpu.memory_space<vmem>>, vector<1x16xf32>,
      %get3A_105 = vector.shape_cast %get3A_104 : vector<1x16xf32> to vector<16xf32>
      %add3A_106 = arith.addf %get3A_99, %get3A_105 : vector<16xf32>
      %add3A_107 = arith.constant 2 : i32
      %add3A_108 = arith.addi %mul3A_67, %add3A_107 : i32
      %get3A_109 = arith.index_cast %add3A_108 : i32 to index
      %get3A_110 = arith.constant 16 : index
      %get3A_111 = tpu.vector_load %arg8[%get3A_109, %get3A_110] {strides = array<i32>} : memref<512x32xf32, #tpu.memory_space<vmem>>, vector<1x16xf32>,
      %get3A_112 = vector.shape_cast %get3A_111 : vector<1x16xf32> to vector<16xf32>
      %add3A_113 = arith.constant 3 : i32
      %add3A_114 = arith.addi %mul3A_67, %add3A_113 : i32
      %get3A_115 = arith.index_cast %add3A_114 : i32 to index
      %get3A_116 = arith.constant 16 : index
      %get3A_117 = tpu.vector_load %arg8[%get3A_115, %get3A_116] {strides = array<i32>} : memref<512x32xf32, #tpu.memory_space<vmem>>, vector<1x16xf32>,
      %get3A_118 = vector.shape_cast %get3A_117 : vector<1x16xf32> to vector<16xf32>
      %add3A_119 = arith.addf %get3A_112, %get3A_118 : vector<16xf32>
      %add3A_120 = arith.addf %add3A_106, %add3A_119 : vector<16xf32>
      %swap3A_121 = arith.index_cast %add3A_65 : i32 to index
      %swap3A_122 = arith.constant 16 : index
      %swap3A_123 = tpu.vector_load %arg9[%swap3A_121, %swap3A_122] {strides = array<i32>} : memref<512x32xf32, #tpu.memory_space<vmem>>, vector<1x16xf32>,
      %swap3A_124 = vector.shape_cast %swap3A_123 : vector<1x16xf32> to vector<16xf32>
      %swap3A_125 = vector.shape_cast %add3A_120 : vector<16xf32> to vector<1x16xf32>
      tpu.vector_store %arg9[%swap3A_121, %swap3A_122], %swap3A_125 {strides = array<i32>} : memref<512x32xf32, #tpu.memory_space<vmem>>, vector<1x16xf32>,
    }
    %scan3A_60 = arith.constant 128 : i32
    "tpu.region"() ({
      %run_scoped3A = tpu.sem_alloc : memref<!tpu.dma_semaphore, #tpu.memory_space<semaphore_mem>>
      %dma_start3A_61 = arith.constant 0 : i32
      %dma_start3A_62 = arith.constant 0 : i32
      %dma_start3A_63 = tpu.memref_slice %arg9[%dma_start3A_61, %dma_start3A_62] : memref<512x32xf32, #tpu.memory_space<vmem>> -> memref<128x32xf32, #tpu.memory_space<vmem>>
      %dma_start3A_64 = arith.constant 0 : i32
      %dma_start3A_65 = tpu.memref_slice %arg5[%mul3A_2, %dma_start3A_64] : memref<4096x32xf32, #tpu.memory_space<hbm>> -> memref<128x32xf32, #tpu.memory_space<hbm>>
      %dma_start3A_66 = arith.constant 0 : i32
      %dma_start3A_67 = tpu.memref_slice %arg5[%mul3A_2, %dma_start3A_66] : memref<4096x32xf32, #tpu.memory_space<hbm>> -> memref<128x32xf32, #tpu.memory_space<hbm>>
      %dma_start3A_68 = arith.constant 0 : i32
      %dma_start3A_69 = arith.constant 0 : i32
      %dma_start3A_70 = tpu.memref_slice %arg9[%dma_start3A_68, %dma_start3A_69] : memref<512x32xf32, #tpu.memory_space<vmem>> -> memref<128x32xf32, #tpu.memory_space<vmem>>
      tpu.enqueue_dma source(%dma_start3A_70 : memref<128x32xf32, #tpu.memory_space<vmem>>) target(%dma_start3A_67 : memref<128x32xf32, #tpu.memory_space<hbm>>) target_semaphore(%run_scoped3A : memref<!tpu.dma_semaphore, #tpu.memory_space<semaphore_mem>>)
      %dma_wait3A = arith.constant 0 : i32
      %dma_wait3A_71 = arith.constant 0 : i32
      %dma_wait3A_72 = tpu.memref_slice %arg9[%dma_wait3A, %dma_wait3A_71] : memref<512x32xf32, #tpu.memory_space<vmem>> -> memref<128x32xf32, #tpu.memory_space<vmem>>
      %dma_wait3A_73 = arith.constant 0 : i32
      %dma_wait3A_74 = tpu.memref_slice %arg5[%mul3A_2, %dma_wait3A_73] : memref<4096x32xf32, #tpu.memory_space<hbm>> -> memref<128x32xf32, #tpu.memory_space<hbm>>
      %dma_wait3A_75 = arith.constant 0 : i32
      %dma_wait3A_76 = tpu.memref_slice %arg5[%mul3A_2, %dma_wait3A_75] : memref<4096x32xf32, #tpu.memory_space<hbm>> -> memref<128x32xf32, #tpu.memory_space<hbm>>
      %dma_wait3A_77 = arith.constant 0 : i32
      %dma_wait3A_78 = arith.constant 0 : i32
      %dma_wait3A_79 = tpu.memref_slice %arg9[%dma_wait3A_77, %dma_wait3A_78] : memref<512x32xf32, #tpu.memory_space<vmem>> -> memref<128x32xf32, #tpu.memory_space<vmem>>
      tpu.wait_dma2 semaphore(%run_scoped3A : memref<!tpu.dma_semaphore, #tpu.memory_space<semaphore_mem>>) src(%dma_wait3A_79 : memref<128x32xf32, #tpu.memory_space<vmem>>) dst(%dma_wait3A_76 : memref<128x32xf32, #tpu.memory_space<hbm>>)
      tpu.yield
    }) : () -> ()
    return
  }
}

module attributes {stable_mosaic.version = 14 : i64} {
  func.func @_dense_head_body(%arg0: memref<4096x32xf32, #tpu.memory_space<vmem>>, %arg1: memref<32x64xf32, #tpu.memory_space<vmem>>, %arg2: memref<1x64xf32, #tpu.memory_space<vmem>>, %arg3: memref<64x4xf32, #tpu.memory_space<vmem>>, %arg4: memref<1x4xf32, #tpu.memory_space<vmem>>, %arg5: memref<4096x4xf32, #tpu.memory_space<vmem>>) attributes {dimension_semantics = [], scalar_prefetch = 0 : i64, scratch_operands = 0 : i64, tpu.core_type = #tpu.core_type<tc>} {
    %get3A = arith.constant 0 : index
    %get3A_0 = arith.constant 0 : index
    %get3A_1 = vector.load %arg0[%get3A, %get3A_0] : memref<4096x32xf32, #tpu.memory_space<vmem>>, vector<4096x32xf32>
    %mul3A = arith.constant 5.000000e-03 : f32
    %mul3A_2 = vector.broadcast %mul3A : f32 to vector<4096x32xf32>
    %mul3A_3 = arith.mulf %get3A_1, %mul3A_2 : vector<4096x32xf32>
    %get3A_4 = arith.constant 0 : index
    %get3A_5 = arith.constant 0 : index
    %get3A_6 = vector.load %arg1[%get3A_4, %get3A_5] : memref<32x64xf32, #tpu.memory_space<vmem>>, vector<32x64xf32>
    %dot_general3A = arith.constant dense<0.000000e+00> : vector<4096x64xf32>
    %dot_general3A_7 = tpu.matmul %mul3A_3, %get3A_6, %dot_general3A {dimension_numbers = #tpu.dot_dimension_numbers<[1], [0], [0], [1], [0, 0, 1, 1], [], []>, transpose_lhs_hint = false} : vector<4096x32xf32>, vector<32x64xf32>, vector<4096x64xf32> -> vector<4096x64xf32>
    %get3A_8 = arith.constant 0 : index
    %get3A_9 = arith.constant 0 : index
    %get3A_10 = vector.load %arg2[%get3A_8, %get3A_9] : memref<1x64xf32, #tpu.memory_space<vmem>>, vector<1x64xf32>
    %add3A = vector.broadcast %get3A_10 : vector<1x64xf32> to vector<4096x64xf32>
    %add3A_11 = arith.addf %dot_general3A_7, %add3A : vector<4096x64xf32>
    %max3A = arith.constant 0.000000e+00 : f32
    %max3A_12 = vector.broadcast %max3A : f32 to vector<4096x64xf32>
    %max3A_13 = arith.maximumf %add3A_11, %max3A_12 : vector<4096x64xf32>
    %get3A_14 = arith.constant 0 : index
    %get3A_15 = arith.constant 0 : index
    %get3A_16 = vector.load %arg3[%get3A_14, %get3A_15] : memref<64x4xf32, #tpu.memory_space<vmem>>, vector<64x4xf32>
    %dot_general3A_17 = arith.constant dense<0.000000e+00> : vector<4096x4xf32>
    %dot_general3A_18 = tpu.matmul %max3A_13, %get3A_16, %dot_general3A_17 {dimension_numbers = #tpu.dot_dimension_numbers<[1], [0], [0], [1], [0, 0, 1, 1], [], []>, transpose_lhs_hint = false} : vector<4096x64xf32>, vector<64x4xf32>, vector<4096x4xf32> -> vector<4096x4xf32>
    %get3A_19 = arith.constant 0 : index
    %get3A_20 = arith.constant 0 : index
    %get3A_21 = vector.load %arg4[%get3A_19, %get3A_20] : memref<1x4xf32, #tpu.memory_space<vmem>>, vector<1x4xf32>
    %add3A_22 = vector.broadcast %get3A_21 : vector<1x4xf32> to vector<4096x4xf32>
    %add3A_23 = arith.addf %dot_general3A_18, %add3A_22 : vector<4096x4xf32>
    %reduce_max3A = arith.constant dense<0xFF800000> : vector<4096xf32>
    %reduce_max3A_24 = vector.multi_reduction <maximumf>, %add3A_23, %reduce_max3A [1] : vector<4096x4xf32> to vector<4096xf32>
    %broadcast_in_dim3A = vector.shape_cast %reduce_max3A_24 : vector<4096xf32> to vector<4096x1xf32>
    %sub3A = vector.broadcast %broadcast_in_dim3A : vector<4096x1xf32> to vector<4096x4xf32>
    %sub3A_25 = arith.subf %add3A_23, %sub3A : vector<4096x4xf32>
    %exp3A = math.exp %sub3A_25 : vector<4096x4xf32>
    %reduce_sum3A = arith.constant dense<0.000000e+00> : vector<4096xf32>
    %reduce_sum3A_26 = vector.multi_reduction <add>, %exp3A, %reduce_sum3A [1] : vector<4096x4xf32> to vector<4096xf32>
    %broadcast_in_dim3A_27 = vector.shape_cast %reduce_sum3A_26 : vector<4096xf32> to vector<4096x1xf32>
    %div3A = vector.broadcast %broadcast_in_dim3A_27 : vector<4096x1xf32> to vector<4096x4xf32>
    %div3A_28 = arith.divf %exp3A, %div3A : vector<4096x4xf32>
    %swap3A = arith.constant 0 : index
    %swap3A_29 = arith.constant 0 : index
    %swap3A_30 = vector.load %arg5[%swap3A, %swap3A_29] : memref<4096x4xf32, #tpu.memory_space<vmem>>, vector<4096x4xf32>
    tpu.vector_store %arg5[%swap3A, %swap3A_29], %div3A_28 {strides = array<i32>} : memref<4096x4xf32, #tpu.memory_space<vmem>>, vector<4096x4xf32>,
    return
  }
}

</mosaic_0001>

<sc_bundles>
// kernel: kernel.4.cloned.1.call-start
scs
__scs_entry_jumppad:
0x0: {  	(pc) =	sbr.rel $0x88, $3  }
0x1: {  	(tag) =	ssettag $0x0;
	lr =	simm.s32 $0x1  }
0x2: {  	[smem:$0x3F9B] =	sst lr;
	_ =	strace $0xD0000000  }
0x3: {  	_ = 	snop  }
0x4: {  	_ = 	snop  }
0x5: {  	_ = 	snop  }
0x6: {  	_ = 	snop  }
0x7: {  	_ = 	snop  }
__scs_overlays_trampoline_lowered:
0x8: {  	[smem:$0x3FAA] =	sst s0  }
0x9: {  	[smem:$0x3FAB] =	sst s1  }
0xa: {  	[smem:$0x3FAC] =	sst s2  }
0xb: {  	[smem:$0x3FAD] =	sst s3  }
0xc: {  	[smem:$0x3FAE] =	sst s4  }
0xd: {  	[smem:$0x3FAF] =	sst s5  }
0xe: {  	[smem:$0x3FB0] =	sst s6  }
0xf: {  	[smem:$0x3FB1] =	sst s7  }
0x10: {  	[smem:$0x3FB2] =	sst s8  }
0x11: {  	[smem:$0x3FB3] =	sst s9;
	s0 =	simm.s32 @!p0 $0x0  }
0x12: {  	s1 =	sld [smem:$0x3F99];
	s0 =	simm.s32 @p0 $0x1  }
0x13: {  	[smem:$0x3FB4] =	sst s0;
	s0 =	simm.s32 @!p1 $0x0  }
0x14: {  	s2 =	sld [smem:$0x3F98];
	s0 =	simm.s32 @p1 $0x1  }
0x15: {  	[smem:$0x3FB5] =	sst s0;
	s0 =	simm.s32 @!p2 $0x0  }
0x16: {  	s3 =	sld [smem:$0x3FDB];
	s0 =	simm.s32 @p2 $0x1  }
0x17: {  	s4 =	simm.s32 $0x1BF5;
	[smem:$0x3FB7] =	sst s0  }
0x18: {  	s0 =	sld [smem:$0x3F9A];
	_ =	swait.ge [sflag:s4], $0x0  }
0x19: {  	s7 =	sld [smem:$0x3F9B]  }
0x1a: {  	s8 =	sadd.s32 $0xFFFFE003, lr  }
0x1b: {  	s9 =	sadd.s32 $0xFFFFFEF7, lr;
	s5 =	simm.s32 $0xFFFFFFFF;
	p2 =	slt.u32 s8, $0xFFFFF086  }
0x1c: {  	p1 =	slt.u32 s9, $0xF7A;
	s5 =	simm.s32 @!p2 $0x0  }
0x1d: {  	s5 =	simm.s32 @p1 $0x1;
	p0 =	seq.s32 s7, s2  }
0x1e: {  	s7 =	smul.u32 @!p0 $0xF7A, s2;
	p2 =	seq.s32 @!p0 s5, $0x0  }
0x1f: {  	s9 =	smul.u32 $0xF7A, s1;
	s8 =	simm.s32 @!p0 $0x1BF5;
	p2 =	por !p2, p0  }
0x20: {  	[sflag:s8] =	ssyncset.s32 @!p0 $0xFFFFF086;
	s6 =	sadd.s32 @!p0 s3, s7;
	s7 =	simm.s32 @!p0 $0x108  }
0x21: {  	s3 =	sadd.s32 s3, s9;
	s6 =	sadd.s32 @!p0 $0x88, s6;
	s7 =	simm.s32 @p2 $0x1082  }
0x22: {  	[simem:s7], [sflag:s8] =	dma.local @!p0 [hbm:s6], $0xF7A  }
0x23: {  	s9 =	sor.u32 $0xD0000000, s2;
	s6 =	simm.s32 $0x108;
	_ =	swait.ge @!p0 [sflag:s8], $0x0  }
0x24: {  	s3 =	sadd.s32 $0x88, s3;
	s6 =	simm.s32 @!p1 $0x1082;
	[sflag:s4] =	ssyncset.s32 $0xFFFFF086  }
0x25: {  	[simem:s6], [sflag:s4] =	dma.local [hbm:s3], $0xF7A  }
0x26: {  	[smem:$0x3F9B] =	sst s1;
	(tag) =	ssettag s2;
	_ =	strace s9  }
0x27: {  	s1 =	sld [smem:$0x3FAB]  }
0x28: {  	s2 =	sld [smem:$0x3FAC]  }
0x29: {  	s4 =	sld [smem:$0x3FAE]  }
0x2a: {  	p0 =	seq.s32 s5, $0x0;
	s5 =	sld [smem:$0x3FAF]  }
0x2b: {  	s6 =	sld [smem:$0x3FB0]  }
0x2c: {  	s7 =	sld [smem:$0x3FB1]  }
0x2d: {  	s3 =	simm.s32 $0x108;
	s8 =	sld [smem:$0x3FB2]  }
0x2e: {  	s3 =	simm.s32 @!p0 $0x1082;
	s9 =	sld [smem:$0x3FB3]  }
0x2f: {  	lr =	sadd.s32 s0, s3;
	s0 =	sld [smem:$0x3FAA]  }
0x30: {  	s3 =	sld [smem:$0x3FAD]  }
0x31: {  	[smem:$0x3FB6] =	sst s10  }
0x32: {  	s10 =	sld [smem:$0x3FB4];
	_ =	sdelay $0x3  }
0x33: {  	p0 =	seq.s32 s10, $0x1;
	s10 =	sld [smem:$0x3FB6];
	_ =	sdelay $0x3  }
0x34: {  	[smem:$0x3FB6] =	sst s10  }
0x35: {  	s10 =	sld [smem:$0x3FB5];
	_ =	sdelay $0x3  }
0x36: {  	p1 =	seq.s32 s10, $0x1;
	s10 =	sld [smem:$0x3FB6];
	_ =	sdelay $0x3  }
0x37: {  	[smem:$0x3FB6] =	sst s10  }
0x38: {  	s10 =	sld [smem:$0x3FB7]  }
0x39: {  	_ = 	snop;
	(pc) =	sbr.ind lr, $3  }
0x3a: {  	_ = 	snop  }
0x3b: {  	_ = 	snop  }
0x3c: {  	p2 =	seq.s32 s10, $0x1;
	s10 =	sld [smem:$0x3FB6]  }
0x3d: {  	_ =	shalt  }
0x3e: {  	_ =	shalt  }
0x3f: {  	_ =	shalt  }
0x40: {  	_ =	shalt  }
0x41: {  	_ =	shalt  }
0x42: {  	_ =	shalt  }
0x43: {  	_ =	shalt  }
0x44: {  	_ =	shalt  }
0x45: {  	_ =	shalt  }
0x46: {  	_ =	shalt  }
0x47: {  	_ =	shalt  }
0x48: {  	_ =	shalt  }
0x49: {  	_ =	shalt  }
0x4a: {  	_ =	shalt  }
0x4b: {  	_ =	shalt  }
0x4c: {  	_ =	shalt  }
0x4d: {  	_ =	shalt  }
0x4e: {  	_ =	shalt  }
0x4f: {  	_ =	shalt  }
0x50: {  	_ =	shalt  }
0x51: {  	_ =	shalt  }
0x52: {  	_ =	shalt  }
0x53: {  	_ =	shalt  }
0x54: {  	_ =	shalt  }
0x55: {  	_ =	shalt  }
0x56: {  	_ =	shalt  }
0x57: {  	_ =	shalt  }
0x58: {  	_ =	shalt  }
0x59: {  	_ =	shalt  }
0x5a: {  	_ =	shalt  }
0x5b: {  	_ =	shalt  }
0x5c: {  	_ =	shalt  }
0x5d: {  	_ =	shalt  }
0x5e: {  	_ =	shalt  }
0x5f: {  	_ =	shalt  }
0x60: {  	_ =	shalt  }
0x61: {  	_ =	shalt  }
0x62: {  	_ =	shalt  }
0x63: {  	_ =	shalt  }
0x64: {  	_ =	shalt  }
0x65: {  	_ =	shalt  }
0x66: {  	_ =	shalt  }
0x67: {  	_ =	shalt  }
0x68: {  	_ =	shalt  }
0x69: {  	_ =	shalt  }
0x6a: {  	_ =	shalt  }
0x6b: {  	_ =	shalt  }
0x6c: {  	_ =	shalt  }
0x6d: {  	_ =	shalt  }
0x6e: {  	_ =	shalt  }
0x6f: {  	_ =	shalt  }
0x70: {  	_ =	shalt  }
0x71: {  	_ =	shalt  }
0x72: {  	_ =	shalt  }
0x73: {  	_ =	shalt  }
0x74: {  	_ =	shalt  }
0x75: {  	_ =	shalt  }
0x76: {  	_ =	shalt  }
0x77: {  	_ =	shalt  }
0x78: {  	_ =	shalt  }
0x79: {  	_ =	shalt  }
0x7a: {  	_ =	shalt  }
0x7b: {  	_ =	shalt  }
0x7c: {  	_ =	shalt  }
0x7d: {  	_ =	shalt  }
0x7e: {  	_ =	shalt  }
0x7f: {  	_ =	shalt  }
0x80: {  	_ =	shalt  }
0x81: {  	_ =	shalt  }
0x82: {  	_ =	shalt  }
0x83: {  	_ =	shalt  }
0x84: {  	_ =	shalt  }
0x85: {  	_ =	shalt  }
0x86: {  	_ =	shalt  }
0x87: {  	_ =	shalt  }
.Lfunc_end0:
.L_simem_size_0:
called_computation_lowered:
.L_overlay_start_0:
0x88: {  	s2 =	sld [smem:$0x3FD9]  }
0x89: {  	s3 =	sld [smem:$0x3FFE];
	_ =	sdelay $0x1  }
0x8a: {  	s1 =	srdreg.scid  }
0x8b: {  	s0 =	sand.u32 $0x1, s1  }
0x8c: {  	s16 =	sshll.u32 s0, $0xA;
	s2 =	sadd.s32 s3, s2  }
0x8d: {  	s2 =	sadd.s32 s2, s16  }
0x8e: {  	[smem:$0x3FC2] =	sst s2  }
0x8f: {  	_ = 	snop  }
0x90: {  	(tm) =	ssettm $0x1  }
0x91: {  	s17 =	sld [smem:$0x3FFB];
	_ =	sdelay $0x3  }
0x92: {  	_ =	strace s17  }
0x93: {  	s2 =	sld [smem:$0x3FFC];
	_ =	sdelay $0x3  }
0x94: {  	_ =	strace s2  }
0x95: {  	s2 =	sld [smem:$0x3FFD];
	_ =	sdelay $0x3  }
0x96: {  	_ =	strace s2  }
0x97: {  	_ =	strace $0x8FFFFFFF  }
0x98: {  	s18 =	sld [smem:$0x3FDB];
	_ =	sdelay $0x1  }
0x99: {  	s19 =	simm.s32 $_scs_section_size  }
0x9a: {  	s4 =	simm.s32 $_size__tile_overlayer_lowered;
	s5 =	simm.s32 $_tile_overlayer_lowered  }
0x9b: {  	s22 =	simm.s32 $0x1BFF;
	s21 =	sshll.u32 s5, $0x1;
	s2 =	sadd.s32 s19, s18  }
0x9c: {  	s6 =	simm.s32 $0x0;
	s20 =	sshll.u32 s4, $0x1;
	s4 =	sadd.s32 s21, s2  }
0x9d: {  	[timem:s6], [sflag:s22] =	dma.local [hbm:s4], s20  }
0x9e: {  	_ =	swait.ge [sflag:s22], s20  }
0x9f: {  	s3 =	ssub.s32 $0x0, s20;
	[sflag:s22] =	ssyncset.done $0x0  }
0xa0: {  	[sflag:s22] =	ssyncadd.s32 s3;
	_ =	sdelay $0x1  }
0xa1: {  	s23 =	simm.s32 $0x1B8B  }
0xa2: {  	_ =	swait.ge [sflag:s23], $0x1  }
0xa3: {  	[sflag:s23] =	ssyncset.done $0x0  }
0xa4: {  	s25 =	simm.s32 $0x1B8E;
	s24 =	sld [smem:$0x3FFE];
	[sflag:s23] =	ssyncadd.s32 $0xFFFFFFFF  }
0xa5: {  	s26 =	simm.s32 $execute0_lowered;
	[smem:$0x3FD2] =	sst s25  }
0xa6: {  	s4 =	sshll.u32 s26, $0x1;
	_ =	strace $0x80000046;
	[dreg:$0x1] =	wrdreg $0xFFFFFFFF  }
0xa7: {  	s28 =	simm.s32 $_size_execute0_lowered;
	s2 =	sadd.s32 s2, s4;
	[dreg:$0x0] =	wrdreg $0x0  }
0xa8: {  	s4 =	sshll.u32 s28, $0x1;
	[dreg:$0x2] =	wrdreg s2  }
0xa9: {  	[dreg:$0x3] =	wrdreg s4  }
0xaa: {  	[dreg:$0x4] =	wrdreg $0xC0  }
0xab: {  	_ =	task [dreg:s6], $0x5FFFF  }
0xac: {  	[dreg:$0x1] =	wrdreg $0xFFFFFFFF  }
0xad: {  	[dreg:$0x0] =	wrdreg $0x60  }
0xae: {  	[dreg:$0x2] =	wrdreg s24  }
0xaf: {  	[dreg:$0x3] =	wrdreg $0x148000  }
0xb0: {  	[dreg:$0x4] =	wrdreg $0x9  }
0xb1: {  	_ =	task.clear_ibuf [dreg:s6], $0x5FFFF;
	_ =	strace $0x90000046  }
0xb2: {  	s29 =	simm.s32 $0x9;
	_ =	strace $0x80000048  }
0xb3: {  	_ =	swait.ge [sflag:s29], $0x1  }
0xb4: {  	[sflag:s29] =	ssyncadd.s32 $0xFFFFFFFF  }
0xb5: {  	_ =	strace $0x90000048  }
0xb6: {  	_ =	sfence  }
0xb7: {  	s30 =	sld [smem:$0x0];
	_ =	sdelay $0x2  }
0xb8: {  	s31 =	sshll.u32 s1, $0xD;
	s1 =	sshrl.u32 s1, $0x2  }
0xb9: {  	s3 =	sand.u32 $0x4000, s31;
	s1 =	sadd.s32 s1, s30  }
0xba: {  	s0 =	sor.u32 s3, s0;
	s1 =	sshll.u32 s1, $0x11  }
0xbb: {  	s0 =	sor.u32 s1, s0  }
0xbc: {  	s0 =	sadd.s32 $0x8F2B, s0  }
0xbd: {  	[sflag:s0] =	ssyncadd.remote.s32 $0x1  }
0xbe: {  	_ =	sfence.sel $0xFFFF  }
0xbf: {  	[dreg:$0x0] =	wrdreg $0xFFFFFFFF;
	(pc) =	sbr.abs _section_cstart, $3  }
0xc0: {  	[dreg:$0x1] =	wrdreg $0xFFFFFFFF  }
0xc1: {  	_ =	task.clear_ibuf [dreg:s6], $0x2FFFF;
	_ =	strace $0x9FFFFFFF  }
0xc2: {  	(tm) =	ssettm $0x7FFFFFFF  }
0xc3: {  	_ =	shalt  }
tec
execute0_lowered:
.L_overlay_start_1:
0x0: {  	(tag) =	ssettag $0x1  }
0x1: {  	s1 =	srdreg.scid;
	s5 =	rddreg [dreg:$0x0]  }
0x2: {  	s0 =	stileid.u32;
	s2 =	rddreg [dreg:$0x1]  }
0x3: {  	s3 =	simm.s32 $0x0;
	s11 =	simm.s32 $0x6400;
	s12 =	simm.s32 $0xC800  }
0x4: {  	s13 =	simm.s32 $0x80;
	s14 =	simm.s32 $0xD800;
	s15 =	simm.s32 $0x100  }
0x5: {  	s16 =	simm.s32 $0xE800;
	s17 =	simm.s32 $0x180;
	s18 =	simm.s32 $0xF800  }
0x6: {  	s19 =	simm.s32 $0x1;
	s20 =	simm.s32 $0x10800;
	s21 =	simm.s32 $0x11800  }
0x7: {  	s22 =	simm.s32 $0x12800;
	s23 =	simm.s32 $0x13800;
	s24 =	simm.s32 $0x2  }
0x8: {  	s4 =	sand.u32 $0x1, s1;
	s30 =	sshll.u32 s0, $0x1;
	[smem:$0x7FF] =	sst s3  }
0x9: {  	s25 =	simm.s32 $0x0;
	s6 =	sor.u32 s4, s30;
	_ =	strace $0x80000047  }
0xa: {  	s8 =	ssub.s32 $0x2, s4;
	s4 =	sadd.s32 $0xF5C200, s5;
	s7 =	smul.u32 $0xC80, s6  }
0xb: {  	s9 =	sshll.u32 s6, $0x9;
	s10 =	sshrl.u32 s8, $0x1;
	s31 =	sshll.u32 s6, $0xE  }
0xc: {  	s9 =	sadd.s32 s9, s5;
	s10 =	ssub.s32 s8, s10;
	s7 =	sadd.s32 s7, s5  }
0xd: {  	s8 =	sadd.s32 $0x32E00, s9;
	s9 =	smax.u32 s10, $0x1;
	s10 =	simm.s32 $0x3  }
0xe: {  	v0 =	vimm.f32 $0.0e+00;
	s5 =	sadd.s32 $0x19E00, s7;
	s6 =	sadd.s32 $0xE00, s7;
	s7 =	sadd.s32 s31, s2  }
.LBB2_1:
0xf: {  	[tilespmem:s3], [sflag:$0x3] =	stream.linear.gather [hbm4b:s5+s3], $0x6400, $0x38;
	[tilespmem:$0x1C800] =	vst v63  }
0x10: {  	_ =	swait.ge [sflag:s10], $0x6400  }
0x11: {  	[sflag:s10] =	ssyncset.done $0x0  }
0x12: {  	[sflag:s10] =	ssyncadd.s32 $0xFFFF9C00  }
0x13: {  	[tilespmem:s11], [sflag:$0x3] =	stream.linear.gather [hbm4b:s6+s3], $0x6400, $0x38;
	[tilespmem:$0x1C800] =	vst v63  }
0x14: {  	_ =	swait.ge [sflag:s10], $0x6400  }
0x15: {  	[sflag:s10] =	ssyncset.done $0x0  }
0x16: {  	s26 =	simm.s32 $0x80;
	s28 =	simm.s32 $0x0;
	[sflag:s10] =	ssyncadd.s32 $0xFFFF9C00  }
.LBB2_2:
0x17: {  	p0 =	sne.s32 s26, $0xFF80;
	[tilespmem:s28+$0xC800] =	vst v0;
	s29 =	smov.u32 s26;
	s26 =	sadd.s32 $0x80, s26  }
.Ltmp0:
0x18: {  	[tilespmem:s28+$0xC810] =	vst v0;
	(pc) =	sbr.rel @p0 .LBB2_2-.Ltmp0, $2  }
0x19: {  	_ =	sdelay $0x2  }
0x1a: {  	s28 =	sshra.s32 s29, $0x2  }
0x1b: {  	[tilespmem:s28+$0xC800] =	vst v0  }
0x1c: {  	[tilespmem:s28+$0xC810] =	vst v0  }
0x1d: {  	[spmem:s7] =	stream.linear.scatter [tilespmem:s12], [sflag:$0x3], $0x4000, $0x38;
	[tilespmem:$0x1C800] =	vst v63  }
0x1e: {  	_ =	swait.ge [sflag:s10], $0x4000  }
0x1f: {  	[sflag:s10] =	ssyncset.done $0x0  }
0x20: {  	s26 =	simm.s32 $0x0;
	[sflag:s10] =	ssyncadd.s32 $0xFFFFC000  }
0x21: {  	[tilespmem:s12], [sflag:$0x1] =	stream.indirect.gather [hbm4b:s4+s13], $0x20, s26, s13, $0xb8;
	[tilespmem:$0x1C800] =	vst v63  }
0x22: {  	_ = 	snop  }
0x23: {  	[tilespmem:s14], [sflag:$0x1] =	stream.indirect.gather [hbm4b:s4+s13], $0x20, s13, s13, $0xb8;
	[tilespmem:$0x1C800] =	vst v63  }
0x24: {  	_ = 	snop  }
0x25: {  	[tilespmem:s16], [sflag:$0x1] =	stream.indirect.gather [hbm4b:s4+s13], $0x20, s15, s13, $0xb8;
	[tilespmem:$0x1C800] =	vst v63  }
0x26: {  	_ = 	snop  }
0x27: {  	[tilespmem:s18], [sflag:$0x1] =	stream.indirect.gather [hbm4b:s4+s13], $0x20, s17, s13, $0xb8;
	[tilespmem:$0x1C800] =	vst v63  }
0x28: {  	_ =	swait.ge [sflag:s19], $0x1000  }
0x29: {  	[sflag:s19] =	ssyncset.done $0x0  }
0x2a: {  	[sflag:s19] =	ssyncadd.s32 $0xFFFFF000  }
0x2b: {  	_ =	swait.ge [sflag:s19], $0x1000  }
0x2c: {  	[sflag:s19] =	ssyncset.done $0x0  }
0x2d: {  	[sflag:s19] =	ssyncadd.s32 $0xFFFFF000  }
0x2e: {  	_ =	swait.ge [sflag:s19], $0x1000  }
0x2f: {  	[sflag:s19] =	ssyncset.done $0x0  }
0x30: {  	[sflag:s19] =	ssyncadd.s32 $0xFFFFF000  }
0x31: {  	_ =	swait.ge [sflag:s19], $0x1000  }
0x32: {  	[sflag:s19] =	ssyncset.done $0x0  }
0x33: {  	s0 =	simm.s32 $0x200;
	[sflag:s19] =	ssyncadd.s32 $0xFFFFF000  }
0x34: {  	[tilespmem:s20], [sflag:$0x2] =	stream.indirect.gather [hbm4b:s4+s13], $0x20, s0, s13, $0xb8;
	[tilespmem:$0x1C800] =	vst v63  }
0x35: {  	s1 =	simm.s32 $0x280  }
0x36: {  	[tilespmem:s21], [sflag:$0x2] =	stream.indirect.gather [hbm4b:s4+s13], $0x20, s1, s13, $0xb8;
	[tilespmem:$0x1C800] =	vst v63  }
0x37: {  	s28 =	simm.s32 $0x300  }
0x38: {  	[tilespmem:s22], [sflag:$0x2] =	stream.indirect.gather [hbm4b:s4+s13], $0x20, s28, s13, $0xb8;
	[tilespmem:$0x1C800] =	vst v63  }
0x39: {  	s29 =	simm.s32 $0x380  }
0x3a: {  	[tilespmem:s23], [sflag:$0x2] =	stream.indirect.gather [hbm4b:s4+s13], $0x20, s29, s13, $0xb8;
	[tilespmem:$0x1C800] =	vst v63  }
0x3b: {  	s30 =	simm.s32 $0x6400  }
0x3c: {  	[spmem:s2] =	stream.indirect.scatter.add.f32 [tilespmem:s12], [sflag:$0x3], $0x20, s30, s13, $0xb8;
	[tilespmem:$0x1C800] =	vst v63  }
0x3d: {  	_ =	swait.ge [sflag:s10], $0x1000  }
0x3e: {  	[sflag:s10] =	ssyncset.done $0x0  }
0x3f: {  	s31 =	simm.s32 $0x6480;
	[sflag:s10] =	ssyncadd.s32 $0xFFFFF000  }
0x40: {  	[spmem:s2] =	stream.indirect.scatter.add.f32 [tilespmem:s14], [sflag:$0x3], $0x20, s31, s13, $0xb8;
	[tilespmem:$0x1C800] =	vst v63  }
0x41: {  	_ =	swait.ge [sflag:s10], $0x1000  }
0x42: {  	[sflag:s10] =	ssyncset.done $0x0  }
0x43: {  	s0 =	simm.s32 $0x6500;
	[sflag:s10] =	ssyncadd.s32 $0xFFFFF000  }
0x44: {  	[spmem:s2] =	stream.indirect.scatter.add.f32 [tilespmem:s16], [sflag:$0x3], $0x20, s0, s13, $0xb8;
	[tilespmem:$0x1C800] =	vst v63  }
0x45: {  	_ =	swait.ge [sflag:s10], $0x1000  }
0x46: {  	[sflag:s10] =	ssyncset.done $0x0  }
0x47: {  	s1 =	simm.s32 $0x6580;
	[sflag:s10] =	ssyncadd.s32 $0xFFFFF000  }
0x48: {  	[spmem:s2] =	stream.indirect.scatter.add.f32 [tilespmem:s18], [sflag:$0x3], $0x20, s1, s13, $0xb8;
	[tilespmem:$0x1C800] =	vst v63  }
0x49: {  	_ =	swait.ge [sflag:s10], $0x1000  }
0x4a: {  	[sflag:s10] =	ssyncset.done $0x0  }
0x4b: {  	[sflag:s10] =	ssyncadd.s32 $0xFFFFF000  }
0x4c: {  	_ =	swait.ge [sflag:s24], $0x1000  }
0x4d: {  	[sflag:s24] =	ssyncset.done $0x0  }
0x4e: {  	[sflag:s24] =	ssyncadd.s32 $0xFFFFF000  }
0x4f: {  	_ =	swait.ge [sflag:s24], $0x1000  }
0x50: {  	[sflag:s24] =	ssyncset.done $0x0  }
0x51: {  	[sflag:s24] =	ssyncadd.s32 $0xFFFFF000  }
0x52: {  	_ =	swait.ge [sflag:s24], $0x1000  }
0x53: {  	[sflag:s24] =	ssyncset.done $0x0  }
0x54: {  	[sflag:s24] =	ssyncadd.s32 $0xFFFFF000  }
0x55: {  	p0 =	por $0x0, $0x0;
	_ =	swait.ge [sflag:s24], $0x1000  }
0x56: {  	s26 =	simm.s32 @!p0 $0xC800;
	[sflag:s24] =	ssyncset.done $0x0  }
0x57: {  	s28 =	simm.s32 @!p0 $0x400;
	s29 =	simm.s32 @!p0 $0x80;
	[sflag:s24] =	ssyncadd.s32 $0xFFFFF000  }
0x58: {  	[tilespmem:s26], [sflag:$0x1] =	stream.indirect.gather @!p0 [hbm4b:s4+s29], $0x20, s28, s29, $0xb8;
	[tilespmem:$0x1C800] =	vst v63  }
0x59: {  	s26 =	simm.s32 @!p0 $0x480;
	s28 =	simm.s32 @!p0 $0xD800  }
0x5a: {  	[tilespmem:s28], [sflag:$0x1] =	stream.indirect.gather @!p0 [hbm4b:s4+s29], $0x20, s26, s29, $0xb8;
	[tilespmem:$0x1C800] =	vst v63  }
0x5b: {  	s26 =	simm.s32 @!p0 $0x500;
	s28 =	simm.s32 @!p0 $0xE800  }
0x5c: {  	[tilespmem:s28], [sflag:$0x1] =	stream.indirect.gather @!p0 [hbm4b:s4+s29], $0x20, s26, s29, $0xb8;
	[tilespmem:$0x1C800] =	vst v63  }
0x5d: {  	s26 =	simm.s32 @!p0 $0x580;
	s28 =	simm.s32 @!p0 $0xF800  }
0x5e: {  	[tilespmem:s28], [sflag:$0x1] =	stream.indirect.gather @!p0 [hbm4b:s4+s29], $0x20, s26, s29, $0xb8;
	[tilespmem:$0x1C800] =	vst v63  }
0x5f: {  	s28 =	simm.s32 $0x6600  }
0x60: {  	[spmem:s2] =	stream.indirect.scatter.add.f32 [tilespmem:s20], [sflag:$0x3], $0x20, s28, s13, $0xb8;
	[tilespmem:$0x1C800] =	vst v63  }
0x61: {  	_ =	swait.ge [sflag:s10], $0x1000  }
0x62: {  	[sflag:s10] =	ssyncset.done $0x0  }
0x63: {  	s29 =	simm.s32 $0x6680;
	[sflag:s10] =	ssyncadd.s32 $0xFFFFF000  }
0x64: {  	[spmem:s2] =	stream.indirect.scatter.add.f32 [tilespmem:s21], [sflag:$0x3], $0x20, s29, s13, $0xb8;
	[tilespmem:$0x1C800] =	vst v63  }
0x65: {  	_ =	swait.ge [sflag:s10], $0x1000  }
0x66: {  	[sflag:s10] =	ssyncset.done $0x0  }
0x67: {  	s30 =	simm.s32 $0x6700;
	[sflag:s10] =	ssyncadd.s32 $0xFFFFF000  }
0x68: {  	[spmem:s2] =	stream.indirect.scatter.add.f32 [tilespmem:s22], [sflag:$0x3], $0x20, s30, s13, $0xb8;
	[tilespmem:$0x1C800] =	vst v63  }
0x69: {  	_ =	swait.ge [sflag:s10], $0x1000  }
0x6a: {  	[sflag:s10] =	ssyncset.done $0x0  }
0x6b: {  	s31 =	simm.s32 $0x6780;
	[sflag:s10] =	ssyncadd.s32 $0xFFFFF000  }
0x6c: {  	[spmem:s2] =	stream.indirect.scatter.add.f32 [tilespmem:s23], [sflag:$0x3], $0x20, s31, s13, $0xb8;
	[tilespmem:$0x1C800] =	vst v63  }
0x6d: {  	_ =	swait.ge [sflag:s10], $0x1000  }
0x6e: {  	s26 =	simm.s32 $0x1000;
	[sflag:s10] =	ssyncset.done $0x0  }
.LBB2_4:
0x6f: {  	[sflag:s10] =	ssyncadd.s32 $0xFFFFF000;
	s29 =	smov.u32 s26;
	s26 =	sadd.s32 $0x1000, s26  }
0x70: {  	_ =	swait.ge [sflag:s19], $0x1000;
	p0 =	sne.s32 s26, $0x19000  }
0x71: {  	[sflag:s19] =	ssyncset.done $0x0  }
0x72: {  	[sflag:s19] =	ssyncadd.s32 $0xFFFFF000  }
0x73: {  	_ =	swait.ge [sflag:s19], $0x1000  }
0x74: {  	[sflag:s19] =	ssyncset.done $0x0  }
0x75: {  	[sflag:s19] =	ssyncadd.s32 $0xFFFFF000  }
0x76: {  	_ =	swait.ge [sflag:s19], $0x1000  }
0x77: {  	[sflag:s19] =	ssyncset.done $0x0  }
0x78: {  	[sflag:s19] =	ssyncadd.s32 $0xFFFFF000  }
0x79: {  	_ =	swait.ge [sflag:s19], $0x1000  }
0x7a: {  	s28 =	sshra.s32 s29, $0x2;
	[sflag:s19] =	ssyncset.done $0x0  }
0x7b: {  	s30 =	sadd.s32 $0x200, s28;
	[sflag:s19] =	ssyncadd.s32 $0xFFFFF000  }
0x7c: {  	[tilespmem:s20], [sflag:$0x2] =	stream.indirect.gather [hbm4b:s4+s13], $0x20, s30, s13, $0xb8;
	[tilespmem:$0x1C800] =	vst v63  }
0x7d: {  	s30 =	sadd.s32 $0x280, s28  }
0x7e: {  	[tilespmem:s21], [sflag:$0x2] =	stream.indirect.gather [hbm4b:s4+s13], $0x20, s30, s13, $0xb8;
	[tilespmem:$0x1C800] =	vst v63  }
0x7f: {  	s30 =	sadd.s32 $0x300, s28  }
0x80: {  	[tilespmem:s22], [sflag:$0x2] =	stream.indirect.gather [hbm4b:s4+s13], $0x20, s30, s13, $0xb8;
	[tilespmem:$0x1C800] =	vst v63  }
0x81: {  	s30 =	sadd.s32 $0x380, s28  }
0x82: {  	[tilespmem:s23], [sflag:$0x2] =	stream.indirect.gather [hbm4b:s4+s13], $0x20, s30, s13, $0xb8;
	[tilespmem:$0x1C800] =	vst v63  }
0x83: {  	s30 =	sadd.s32 $0x6400, s28  }
0x84: {  	[spmem:s2] =	stream.indirect.scatter.add.f32 [tilespmem:s12], [sflag:$0x3], $0x20, s30, s13, $0xb8;
	[tilespmem:$0x1C800] =	vst v63  }
0x85: {  	_ =	swait.ge [sflag:s10], $0x1000  }
0x86: {  	[sflag:s10] =	ssyncset.done $0x0  }
0x87: {  	s30 =	sadd.s32 $0x6480, s28;
	[sflag:s10] =	ssyncadd.s32 $0xFFFFF000  }
0x88: {  	[spmem:s2] =	stream.indirect.scatter.add.f32 [tilespmem:s14], [sflag:$0x3], $0x20, s30, s13, $0xb8;
	[tilespmem:$0x1C800] =	vst v63  }
0x89: {  	_ =	swait.ge [sflag:s10], $0x1000  }
0x8a: {  	[sflag:s10] =	ssyncset.done $0x0  }
0x8b: {  	s30 =	sadd.s32 $0x6500, s28;
	[sflag:s10] =	ssyncadd.s32 $0xFFFFF000  }
0x8c: {  	[spmem:s2] =	stream.indirect.scatter.add.f32 [tilespmem:s16], [sflag:$0x3], $0x20, s30, s13, $0xb8;
	[tilespmem:$0x1C800] =	vst v63  }
0x8d: {  	_ =	swait.ge [sflag:s10], $0x1000  }
0x8e: {  	[sflag:s10] =	ssyncset.done $0x0  }
0x8f: {  	s30 =	sadd.s32 $0x6580, s28;
	[sflag:s10] =	ssyncadd.s32 $0xFFFFF000  }
0x90: {  	[spmem:s2] =	stream.indirect.scatter.add.f32 [tilespmem:s18], [sflag:$0x3], $0x20, s30, s13, $0xb8;
	[tilespmem:$0x1C800] =	vst v63  }
0x91: {  	_ =	swait.ge [sflag:s10], $0x1000  }
0x92: {  	[sflag:s10] =	ssyncset.done $0x0  }
0x93: {  	[sflag:s10] =	ssyncadd.s32 $0xFFFFF000  }
0x94: {  	_ =	swait.ge [sflag:s24], $0x1000  }
0x95: {  	[sflag:s24] =	ssyncset.done $0x0  }
0x96: {  	[sflag:s24] =	ssyncadd.s32 $0xFFFFF000  }
0x97: {  	_ =	swait.ge [sflag:s24], $0x1000  }
0x98: {  	[sflag:s24] =	ssyncset.done $0x0  }
0x99: {  	[sflag:s24] =	ssyncadd.s32 $0xFFFFF000  }
0x9a: {  	_ =	swait.ge [sflag:s24], $0x1000  }
0x9b: {  	[sflag:s24] =	ssyncset.done $0x0  }
0x9c: {  	[sflag:s24] =	ssyncadd.s32 $0xFFFFF000  }
0x9d: {  	p1 =	seq.s32 s29, $0x18000;
	_ =	swait.ge [sflag:s24], $0x1000  }
0x9e: {  	s29 =	sshra.s32 @!p1 s29, $0x2;
	s30 =	simm.s32 @!p1 $0xC800;
	[sflag:s24] =	ssyncset.done $0x0  }
0x9f: {  	s1 =	simm.s32 @!p1 $0x80;
	s31 =	sadd.s32 @!p1 $0x400, s29;
	[sflag:s24] =	ssyncadd.s32 $0xFFFFF000  }
0xa0: {  	[tilespmem:s30], [sflag:$0x1] =	stream.indirect.gather @!p1 [hbm4b:s4+s1], $0x20, s31, s1, $0xb8;
	[tilespmem:$0x1C800] =	vst v63  }
0xa1: {  	s0 =	sadd.s32 @!p1 $0x500, s29;
	s30 =	sadd.s32 @!p1 $0x480, s29;
	s31 =	simm.s32 @!p1 $0xD800  }
0xa2: {  	[tilespmem:s31], [sflag:$0x1] =	stream.indirect.gather @!p1 [hbm4b:s4+s1], $0x20, s30, s1, $0xb8;
	[tilespmem:$0x1C800] =	vst v63  }
0xa3: {  	s29 =	sadd.s32 @!p1 $0x580, s29;
	s30 =	simm.s32 @!p1 $0xE800  }
0xa4: {  	[tilespmem:s30], [sflag:$0x1] =	stream.indirect.gather @!p1 [hbm4b:s4+s1], $0x20, s0, s1, $0xb8;
	[tilespmem:$0x1C800] =	vst v63  }
0xa5: {  	s0 =	simm.s32 @!p1 $0xF800  }
0xa6: {  	[tilespmem:s0], [sflag:$0x1] =	stream.indirect.gather @!p1 [hbm4b:s4+s1], $0x20, s29, s1, $0xb8;
	[tilespmem:$0x1C800] =	vst v63  }
0xa7: {  	s0 =	sadd.s32 $0x6600, s28  }
0xa8: {  	[spmem:s2] =	stream.indirect.scatter.add.f32 [tilespmem:s20], [sflag:$0x3], $0x20, s0, s13, $0xb8;
	[tilespmem:$0x1C800] =	vst v63  }
0xa9: {  	_ =	swait.ge [sflag:s10], $0x1000  }
0xaa: {  	[sflag:s10] =	ssyncset.done $0x0  }
0xab: {  	s0 =	sadd.s32 $0x6680, s28;
	[sflag:s10] =	ssyncadd.s32 $0xFFFFF000  }
0xac: {  	[spmem:s2] =	stream.indirect.scatter.add.f32 [tilespmem:s21], [sflag:$0x3], $0x20, s0, s13, $0xb8;
	[tilespmem:$0x1C800] =	vst v63  }
0xad: {  	_ =	swait.ge [sflag:s10], $0x1000  }
0xae: {  	[sflag:s10] =	ssyncset.done $0x0  }
0xaf: {  	s0 =	sadd.s32 $0x6700, s28;
	[sflag:s10] =	ssyncadd.s32 $0xFFFFF000  }
0xb0: {  	[spmem:s2] =	stream.indirect.scatter.add.f32 [tilespmem:s22], [sflag:$0x3], $0x20, s0, s13, $0xb8;
	[tilespmem:$0x1C800] =	vst v63  }
0xb1: {  	_ =	swait.ge [sflag:s10], $0x1000  }
.Ltmp1:
0xb2: {  	[sflag:s10] =	ssyncset.done $0x0;
	(pc) =	sbr.rel @p0 .LBB2_4-.Ltmp1, $4  }
0xb3: {  	s0 =	sadd.s32 $0x6780, s28;
	[sflag:s10] =	ssyncadd.s32 $0xFFFFF000  }
0xb4: {  	[spmem:s2] =	stream.indirect.scatter.add.f32 [tilespmem:s23], [sflag:$0x3], $0x20, s0, s13, $0xb8;
	[tilespmem:$0x1C800] =	vst v63  }
0xb5: {  	_ =	swait.ge [sflag:s10], $0x1000  }
0xb6: {  	[sflag:s10] =	ssyncset.done $0x0  }
0xb7: {  	[sflag:s10] =	ssyncadd.s32 $0xFFFFF000  }
0xb8: {  	[tilespmem:s12], [sflag:$0x3] =	stream.linear.gather [spmem:s7], $0x4000, $0x38;
	[tilespmem:$0x1C800] =	vst v63  }
0xb9: {  	_ =	swait.ge [sflag:s10], $0x4000  }
0xba: {  	[sflag:s10] =	ssyncset.done $0x0  }
0xbb: {  	s26 =	simm.s32 $0xC840;
	[sflag:s10] =	ssyncadd.s32 $0xFFFFC000  }
0xbc: {  	v1 =	vld [tilespmem:s26+$0xFFFFFFC0]  }
0xbd: {  	v2 =	vld [tilespmem:s26+$0x20]  }
0xbe: {  	v3 =	vld [tilespmem:s26+$0x0]  }
0xbf: {  	v4 =	vld [tilespmem:s26+$0xFFFFFFE0];
	_ =	sdelay $0x4  }
0xc0: {  	v2 =	vadd.f32 v2, v3;
	v1 =	vadd.f32 v4, v1;
	_ =	sdelay $0x1  }
0xc1: {  	v1 =	vadd.f32 v2, v1  }
0xc2: {  	s29 =	simm.s32 $0x0  }
0xc3: {  	[tilespmem:s29+$0x10800] =	vst v1  }
0xc4: {  	v1 =	vld [tilespmem:s26+$0x30]  }
0xc5: {  	v2 =	vld [tilespmem:s26+$0xFFFFFFF0]  }
0xc6: {  	v3 =	vld [tilespmem:s26+$0x10]  }
0xc7: {  	v63 =	vld [tilespmem:s26+$0xFFFFFFD0];
	_ =	sdelay $0x4  }
0xc8: {  	s28 =	simm.s32 $0x80;
	v1 =	vadd.f32 v1, v3;
	v2 =	vadd.f32 v2, v63  }
.LBB2_6:
0xc9: {  	p0 =	sne.s32 s28, $0x3F80  }
0xca: {  	s26 =	sadd.s32 $0x80, s26;
	s0 =	smov.u32 s28;
	s28 =	sadd.s32 $0x80, s28  }
0xcb: {  	v1 =	vadd.f32 v1, v2;
	_ =	sdelay $0x1  }
0xcc: {  	[tilespmem:s29+$0x10810] =	vst v1  }
0xcd: {  	v1 =	vld [tilespmem:s26+$0xFFFFFFC0]  }
0xce: {  	v2 =	vld [tilespmem:s26+$0x20]  }
0xcf: {  	v3 =	vld [tilespmem:s26+$0x0]  }
0xd0: {  	v4 =	vld [tilespmem:s26+$0xFFFFFFE0];
	_ =	sdelay $0x3  }
0xd1: {  	v2 =	vadd.f32 v2, v3  }
0xd2: {  	v1 =	vadd.f32 v4, v1;
	_ =	sdelay $0x1  }
0xd3: {  	v1 =	vadd.f32 v2, v1  }
0xd4: {  	s29 =	sshra.s32 s0, $0x2  }
0xd5: {  	[tilespmem:s29+$0x10800] =	vst v1  }
0xd6: {  	v1 =	vld [tilespmem:s26+$0x30]  }
0xd7: {  	v2 =	vld [tilespmem:s26+$0xFFFFFFF0]  }
0xd8: {  	v3 =	vld [tilespmem:s26+$0x10]  }
0xd9: {  	v4 =	vld [tilespmem:s26+$0xFFFFFFD0]  }
.Ltmp2:
0xda: {  	(pc) =	sbr.rel @p0 .LBB2_6-.Ltmp2, $3  }
0xdb: {  	_ =	sdelay $0x1  }
0xdc: {  	v1 =	vadd.f32 v1, v3  }
0xdd: {  	v2 =	vadd.f32 v2, v4  }
0xde: {  	_ = 	snop  }
0xdf: {  	s25 =	sadd.s32 $0x1, s25;
	v1 =	vadd.f32 v1, v2  }
0xe0: {  	p0 =	sne.s32 s25, s9  }
.Ltmp3:
0xe1: {  	[tilespmem:s29+$0x10810] =	vst v1;
	(pc) =	sbr.rel @p0 .LBB2_1-.Ltmp3, $4  }
0xe2: {  	[hbm4b:s8+s3] =	stream.linear.scatter [tilespmem:s20], [sflag:$0x3], $0x1000, $0x38;
	[tilespmem:$0x1C800] =	vst v63  }
0xe3: {  	_ =	swait.ge [sflag:s10], $0x1000  }
0xe4: {  	[sflag:s10] =	ssyncset.done $0x0  }
0xe5: {  	[sflag:s10] =	ssyncadd.s32 $0xFFFFF000  }
0xe6: {  	_ =	sfence.sel $0x180000  }
0xe7: {  	[bflag:$0x0] =	sbarrier.arrive $0xFFFF  }
0xe8: {  	_ =	strace $0x90000047  }
0xe9: {  	s0 =	stileid.u32;
	[bflag:$0x2] =	sbarrier.arrive $0xFFFF  }
0xea: {  	p0 =	sne.s32 s0, $0x0;
	s0 =	rddreg [dreg:$0x2]  }
0xeb: {  	s0 =	sadd.s32 @!p0 $0x100000, s0  }
0xec: {  	[sflag:s0] =	ssyncadd.tile.s32 @!p0 $0x1;
	_ =	shalt  }
.Lfunc_end2:
_tile_overlayer_lowered:
.L_overlay_start_2:
0xed: {  	(tag) =	ssettag $0x2  }
0xee: {  	s0 =	rddreg [dreg:$0x0];
	s2 =	stileid.u32  }
0xef: {  	s1 =	rddreg [dreg:$0x1];
	p0 =	sne.s32 s2, $0x0  }
0xf0: {  	s3 =	rddreg [dreg:$0x2];
	[bflag:$0x3] =	sbarrier.arrive $0xFFFF;
	s2 =	simm.s32 @!p0 $0x1C03  }
0xf1: {  	[timem:s3], [sflag:s2] =	dma.local @!p0 [hbm:s0], s1  }
0xf2: {  	s0 =	simm.s32 @!p0 $0x3  }
0xf3: {  	_ =	swait.ge @!p0 [sflag:s0], s1  }
0xf4: {  	s1 =	ssub.s32 @!p0 $0x0, s1;
	[sflag:s0] =	ssyncset.done @!p0 $0x0  }
0xf5: {  	[sflag:s0] =	ssyncadd.s32 @!p0 s1  }
0xf6: {  	[bflag:$0x3] =	sbarrier.arrive $0xFFFF  }
0xf7: {  	_ =	shalt  }

</sc_bundles>
